<compile_context>
chip_gen: v7x
topology: tpu7x:2x2x1
jax: 0.10.2.dev20260603
libtpu: 0.0.44.dev20260713+nightly
codegen_flags: <defaults>
</compile_context>

<pallas_src>
import functools

import jax
import jax.numpy as jnp
from jax import lax
from jax.experimental import pallas as pl
from jax.experimental.pallas import tpu as pltpu
from jax.experimental.pallas import tpu_sc as plsc

N = 100000
D = 128
V = 21
C = 128
NW = 32
N_FULL = N // C
TAIL = N - N_FULL * C
CPW = (N_FULL + NW - 1) // NW
LAST_CH = N_FULL - (NW - 1) * CPW
BPW = CPW * C
LAST_IDS = LAST_CH * C + TAIL
NB = 4
PF = 2
STEPS = CPW + PF
OUTER = (STEPS + NB - 1) // NB


def _make_kernel():
  mesh = plsc.VectorSubcoreMesh(core_axis_name="c", subcore_axis_name="s")

  @functools.partial(
      pl.kernel,
      out_type=jax.ShapeDtypeStruct((N, D), jnp.float32),
      mesh=mesh,
      scratch_types=[
          pltpu.VMEM((BPW,), jnp.int32),
          pltpu.VMEM((NB, C, D), jnp.float32),
          pltpu.VMEM((TAIL, D), jnp.float32),
          pltpu.SemaphoreType.DMA((NB,)),
          pltpu.SemaphoreType.DMA((NB,)),
          pltpu.SemaphoreType.DMA,
          pltpu.VMEM_SHARED((V, D), jnp.float32),
      ],
  )
  def k(x_hbm, table_hbm, out_hbm,
        idx_v, rows, rows_t, sem_g, sem_w, sem_t, table_s):
    wid = lax.axis_index("s") * 2 + lax.axis_index("c")
    base_ch = wid * CPW
    n_my = jnp.where(wid == NW - 1, LAST_CH, CPW)

    @pl.when(lax.axis_index("s") == 0)
    def _():
      pltpu.sync_copy(table_hbm, table_s)

    @pl.when(wid < NW - 1)
    def _():
      pltpu.sync_copy(x_hbm.at[pl.ds(wid * BPW, BPW)], idx_v)

    @pl.when(wid == NW - 1)
    def _():
      pltpu.sync_copy(x_hbm.at[pl.ds((NW - 1) * BPW, LAST_IDS)],
                      idx_v.at[pl.ds(0, LAST_IDS)])

    plsc.subcore_barrier()

    def start_gather(j, b):
      pltpu.async_copy(table_s.at[idx_v.at[pl.ds(j * C, C)]], rows.at[b],
                       sem_g.at[b])

    def start_write(j, b):
      pltpu.async_copy(rows.at[b], out_hbm.at[pl.ds((base_ch + j) * C, C)],
                       sem_w.at[b])

    def wait_gather(b):
      pltpu.make_async_copy(out_hbm.at[pl.ds(0, C)], rows.at[b],
                            sem_g.at[b]).wait()

    def wait_write(b):
      pltpu.make_async_copy(rows.at[b], out_hbm.at[pl.ds(0, C)],
                            sem_w.at[b]).wait()

    for b in range(PF):
      @pl.when(b < n_my)
      def _(b=b):
        start_gather(jnp.int32(b), b)

    def outer_body(jj, carry):
      for b in range(NB):
        j = jj * NB + b
        b2 = (b + PF) % NB

        @pl.when((j >= PF) & (j < n_my + PF))
        def _(b2=b2):
          wait_write(b2)

        @pl.when(j + PF < n_my)
        def _(j=j, b2=b2):
          start_gather(j + PF, b2)

        @pl.when(j < n_my)
        def _(j=j, b=b):
          wait_gather(b)
          start_write(j, b)
      return carry

    lax.fori_loop(0, OUTER, outer_body, 0)

    @pl.when(wid == NW - 1)
    def _():
      pltpu.async_copy(table_s.at[idx_v.at[pl.ds(LAST_CH * C, TAIL)]],
                       rows_t, sem_t).wait()
      pltpu.sync_copy(rows_t, out_hbm.at[pl.ds(N_FULL * C, TAIL)])

  return k


_lookup = _make_kernel()


def kernel(x, table):
  return _lookup(x.astype(jnp.int32), table)

# --- scband reference (transcript-rebuilt; emitter-appended) ---
"""Pipeline reference for scband-feature-encoder-12386685681746 (READ-ONLY COPY).

The authoritative reference and input builder live on the scoring server;
editing this copy changes nothing except your own understanding.
"""

import jax, jax.numpy as jnp
import numpy as np

N_NODES = 100000
VOCAB = 21  # ZINC atom types
HIDDEN = 128

def _xavier_uniform(key, shape):
    fan_in, fan_out = shape[0], shape[1]
    a = float(np.sqrt(6.0 / (fan_in + fan_out)))
    return jax.random.uniform(key, shape, dtype=jnp.float32, minval=-a, maxval=a)

def setup_inputs(seed: int = 0) -> dict:
    key = jax.random.key(seed)
    k_idx, k_tab = jax.random.split(key)
    x = jax.random.randint(k_idx, (N_NODES,), 0, VOCAB, dtype=jnp.int64 if jax.config.jax_enable_x64 else jnp.int32)
    table = _xavier_uniform(k_tab, (VOCAB, HIDDEN))
    return {"x": x, "table": table}

def reference(x, table):
    # FeatureEncoder with type_encoder='zinc' and no lap/rw/partition encoders
    # reduces to ZINCAtomEncoder: a plain embedding lookup over node atom-type ids.
    return jnp.take(table, x, axis=0)

if __name__ == "__main__":
    import jax
    _d = setup_inputs()
    print(jax.jit(kernel)(*tuple(_d.values())))

</pallas_src>

<mosaic_0001>
#map = affine_map<(d0, d1) -> (0)>
#map1 = affine_map<(d0, d1) -> (0, 0)>
module attributes {stable_mosaic.version = 14 : i64} {
  func.func @k(%arg0: i32, %arg1: i32, %arg2: memref<100000xi32, #tpu.memory_space<hbm>>, %arg3: memref<21x128xf32, #tpu.memory_space<hbm>>, %arg4: memref<100000x128xf32, #tpu.memory_space<hbm>>, %arg5: memref<3200xi32, #tpu.memory_space<vmem>>, %arg6: memref<4x128x128xf32, #tpu.memory_space<vmem>>, %arg7: memref<32x128xf32, #tpu.memory_space<vmem>>, %arg8: memref<4x!tpu.dma_semaphore, #tpu.memory_space<semaphore_mem>>, %arg9: memref<4x!tpu.dma_semaphore, #tpu.memory_space<semaphore_mem>>, %arg10: memref<!tpu.dma_semaphore, #tpu.memory_space<semaphore_mem>>, %arg11: memref<21x128xf32, #tpu.memory_space<vmem_shared>>) attributes {dimension_semantics = [#tpu.dimension_semantics<core_parallel>, #tpu.dimension_semantics<subcore_parallel>], iteration_bounds = array<i64: 2, 16>, scalar_prefetch = 0 : i64, scratch_operands = 7 : i64, tpu.core_type = #tpu.core_type<sc_vector_subcore>, window_params = [{transform_indices = #map}, {transform_indices = #map1}, {transform_indices = #map1}]} {
    %mul3A = arith.constant 2 : i32
    %mul3A_0 = arith.muli %arg1, %mul3A : i32
    %add3A = arith.addi %mul3A_0, %arg0 : i32
    %mul3A_1 = arith.constant 25 : i32
    %mul3A_2 = arith.muli %add3A, %mul3A_1 : i32
    %eq3A = arith.constant 31 : i32
    %eq3A_3 = arith.cmpi eq, %add3A, %eq3A : i32
    %jit3A = arith.constant 6 : i32
    %jit3A_4 = arith.constant 25 : i32
    %select_n3A = arith.select %eq3A_3, %jit3A, %jit3A_4 : i32
    %eq3A_5 = arith.constant 0 : i32
    %eq3A_6 = arith.cmpi eq, %arg1, %eq3A_5 : i32
    %convert_element_type3A = arith.extui %eq3A_6 : i1 to i32
    %cond3A = arith.constant 0 : i32
    %cond3A_7 = arith.cmpi ne, %convert_element_type3A, %cond3A : i32
    scf.if %cond3A_7 {
      "tpu.region"() ({
        %run_scoped3A = tpu.sem_alloc : memref<!tpu.dma_semaphore, #tpu.memory_space<semaphore_mem>>
        tpu.enqueue_dma source(%arg3 : memref<21x128xf32, #tpu.memory_space<hbm>>) target(%arg11 : memref<21x128xf32, #tpu.memory_space<vmem_shared>>) target_semaphore(%run_scoped3A : memref<!tpu.dma_semaphore, #tpu.memory_space<semaphore_mem>>)
        tpu.wait_dma2 semaphore(%run_scoped3A : memref<!tpu.dma_semaphore, #tpu.memory_space<semaphore_mem>>) src(%arg3 : memref<21x128xf32, #tpu.memory_space<hbm>>) dst(%arg11 : memref<21x128xf32, #tpu.memory_space<vmem_shared>>)
        tpu.yield
      }) : () -> ()
    } else {
    }
    %lt3A = arith.constant 31 : i32
    %lt3A_8 = arith.cmpi slt, %add3A, %lt3A : i32
    %convert_element_type3A_9 = arith.extui %lt3A_8 : i1 to i32
    %cond3A_10 = arith.constant 0 : i32
    %cond3A_11 = arith.cmpi ne, %convert_element_type3A_9, %cond3A_10 : i32
    scf.if %cond3A_11 {
      %mul3A_36 = arith.constant 3200 : i32
      %mul3A_37 = arith.muli %add3A, %mul3A_36 : i32
      "tpu.region"() ({
        %run_scoped3A = tpu.sem_alloc : memref<!tpu.dma_semaphore, #tpu.memory_space<semaphore_mem>>
        %dma_start3A = tpu.memref_slice %arg2[%mul3A_37] : memref<100000xi32, #tpu.memory_space<hbm>> -> memref<3200xi32, #tpu.memory_space<hbm>>
        %dma_start3A_38 = tpu.memref_slice %arg2[%mul3A_37] : memref<100000xi32, #tpu.memory_space<hbm>> -> memref<3200xi32, #tpu.memory_space<hbm>>
        tpu.enqueue_dma source(%dma_start3A_38 : memref<3200xi32, #tpu.memory_space<hbm>>) target(%arg5 : memref<3200xi32, #tpu.memory_space<vmem>>) target_semaphore(%run_scoped3A : memref<!tpu.dma_semaphore, #tpu.memory_space<semaphore_mem>>)
        %dma_wait3A = tpu.memref_slice %arg2[%mul3A_37] : memref<100000xi32, #tpu.memory_space<hbm>> -> memref<3200xi32, #tpu.memory_space<hbm>>
        %dma_wait3A_39 = tpu.memref_slice %arg2[%mul3A_37] : memref<100000xi32, #tpu.memory_space<hbm>> -> memref<3200xi32, #tpu.memory_space<hbm>>
        tpu.wait_dma2 semaphore(%run_scoped3A : memref<!tpu.dma_semaphore, #tpu.memory_space<semaphore_mem>>) src(%dma_wait3A_39 : memref<3200xi32, #tpu.memory_space<hbm>>) dst(%arg5 : memref<3200xi32, #tpu.memory_space<vmem>>)
        tpu.yield
      }) : () -> ()
    } else {
    }
    %eq3A_12 = arith.constant 31 : i32
    %eq3A_13 = arith.cmpi eq, %add3A, %eq3A_12 : i32
    %convert_element_type3A_14 = arith.extui %eq3A_13 : i1 to i32
    %cond3A_15 = arith.constant 0 : i32
    %cond3A_16 = arith.cmpi ne, %convert_element_type3A_14, %cond3A_15 : i32
    scf.if %cond3A_16 {
      "tpu.region"() ({
        %run_scoped3A = tpu.sem_alloc : memref<!tpu.dma_semaphore, #tpu.memory_space<semaphore_mem>>
        %dma_start3A = arith.constant 0 : i32
        %dma_start3A_36 = tpu.memref_slice %arg5[%dma_start3A] : memref<3200xi32, #tpu.memory_space<vmem>> -> memref<800xi32, #tpu.memory_space<vmem>>
        %dma_start3A_37 = arith.constant 99200 : i32
        %dma_start3A_38 = tpu.memref_slice %arg2[%dma_start3A_37] : memref<100000xi32, #tpu.memory_space<hbm>> -> memref<800xi32, #tpu.memory_space<hbm>>
        %dma_start3A_39 = arith.constant 0 : i32
        %dma_start3A_40 = tpu.memref_slice %arg5[%dma_start3A_39] : memref<3200xi32, #tpu.memory_space<vmem>> -> memref<800xi32, #tpu.memory_space<vmem>>
        %dma_start3A_41 = arith.constant 99200 : i32
        %dma_start3A_42 = tpu.memref_slice %arg2[%dma_start3A_41] : memref<100000xi32, #tpu.memory_space<hbm>> -> memref<800xi32, #tpu.memory_space<hbm>>
        tpu.enqueue_dma source(%dma_start3A_42 : memref<800xi32, #tpu.memory_space<hbm>>) target(%dma_start3A_40 : memref<800xi32, #tpu.memory_space<vmem>>) target_semaphore(%run_scoped3A : memref<!tpu.dma_semaphore, #tpu.memory_space<semaphore_mem>>)
        %dma_wait3A = arith.constant 0 : i32
        %dma_wait3A_43 = tpu.memref_slice %arg5[%dma_wait3A] : memref<3200xi32, #tpu.memory_space<vmem>> -> memref<800xi32, #tpu.memory_space<vmem>>
        %dma_wait3A_44 = arith.constant 99200 : i32
        %dma_wait3A_45 = tpu.memref_slice %arg2[%dma_wait3A_44] : memref<100000xi32, #tpu.memory_space<hbm>> -> memref<800xi32, #tpu.memory_space<hbm>>
        %dma_wait3A_46 = arith.constant 0 : i32
        %dma_wait3A_47 = tpu.memref_slice %arg5[%dma_wait3A_46] : memref<3200xi32, #tpu.memory_space<vmem>> -> memref<800xi32, #tpu.memory_space<vmem>>
        %dma_wait3A_48 = arith.constant 99200 : i32
        %dma_wait3A_49 = tpu.memref_slice %arg2[%dma_wait3A_48] : memref<100000xi32, #tpu.memory_space<hbm>> -> memref<800xi32, #tpu.memory_space<hbm>>
        tpu.wait_dma2 semaphore(%run_scoped3A : memref<!tpu.dma_semaphore, #tpu.memory_space<semaphore_mem>>) src(%dma_wait3A_49 : memref<800xi32, #tpu.memory_space<hbm>>) dst(%dma_wait3A_47 : memref<800xi32, #tpu.memory_space<vmem>>)
        tpu.yield
      }) : () -> ()
    } else {
    }
    %barrier3A = arith.constant 0 : index
    tpu.barrier barrier_id(%barrier3A)
    %gt3A = arith.constant 0 : i32
    %gt3A_17 = arith.cmpi sgt, %select_n3A, %gt3A : i32
    %convert_element_type3A_18 = arith.extui %gt3A_17 : i1 to i32
    %cond3A_19 = arith.constant 0 : i32
    %cond3A_20 = arith.cmpi ne, %convert_element_type3A_18, %cond3A_19 : i32
    scf.if %cond3A_20 {
      %mul3A_36 = arith.constant 0 : i32
      %mul3A_37 = arith.constant 128 : i32
      %mul3A_38 = arith.muli %mul3A_36, %mul3A_37 : i32
      %dma_start3A = arith.constant 0 : i32
      %dma_start3A_39 = arith.constant 0 : i32
      %dma_start3A_40 = arith.constant 0 : i32
      %dma_start3A_41 = arith.constant 0 : i32
      %dma_start3A_42 = tpu.memref_slice %arg6[%dma_start3A, %dma_start3A_40, %dma_start3A_41] : memref<4x128x128xf32, #tpu.memory_space<vmem>> -> memref<1x128x128xf32, #tpu.memory_space<vmem>>
      %dma_start3A_43 = tpu.memref_squeeze %dma_start3A_42 : memref<1x128x128xf32, #tpu.memory_space<vmem>> -> memref<128x128xf32, #tpu.memory_space<vmem>>
      %dma_start3A_44 = tpu.memref_slice %arg5[%mul3A_38] : memref<3200xi32, #tpu.memory_space<vmem>> -> memref<128xi32, #tpu.memory_space<vmem>>
      %dma_start3A_45 = arith.constant 0 : i32
      %dma_start3A_46 = arith.constant 0 : i32
      %dma_start3A_47 = tpu.memref_slice %arg11[%dma_start3A_45, %dma_start3A_46] : memref<21x128xf32, #tpu.memory_space<vmem_shared>> -> memref<21x128xf32, #tpu.memory_space<vmem_shared>>
      %dma_start3A_48 = tpu.memref_slice %arg8[%dma_start3A_39] : memref<4x!tpu.dma_semaphore, #tpu.memory_space<semaphore_mem>> -> memref<1x!tpu.dma_semaphore, #tpu.memory_space<semaphore_mem>>
      %dma_start3A_49 = tpu.memref_squeeze %dma_start3A_48 : memref<1x!tpu.dma_semaphore, #tpu.memory_space<semaphore_mem>> -> memref<!tpu.dma_semaphore, #tpu.memory_space<semaphore_mem>>
      tpu.enqueue_indirect_dma source(%dma_start3A_47 : memref<21x128xf32, #tpu.memory_space<vmem_shared>>) target(%dma_start3A_43 : memref<128x128xf32, #tpu.memory_space<vmem>>) offsets(%dma_start3A_44 : memref<128xi32, #tpu.memory_space<vmem>>) semaphore(%dma_start3A_49 : memref<!tpu.dma_semaphore, #tpu.memory_space<semaphore_mem>>)
    } else {
    }
    %gt3A_21 = arith.constant 1 : i32
    %gt3A_22 = arith.cmpi sgt, %select_n3A, %gt3A_21 : i32
    %convert_element_type3A_23 = arith.extui %gt3A_22 : i1 to i32
    %cond3A_24 = arith.constant 0 : i32
    %cond3A_25 = arith.cmpi ne, %convert_element_type3A_23, %cond3A_24 : i32
    scf.if %cond3A_25 {
      %mul3A_36 = arith.constant 1 : i32
      %mul3A_37 = arith.constant 128 : i32
      %mul3A_38 = arith.muli %mul3A_36, %mul3A_37 : i32
      %dma_start3A = arith.constant 1 : i32
      %dma_start3A_39 = arith.constant 1 : i32
      %dma_start3A_40 = arith.constant 0 : i32
      %dma_start3A_41 = arith.constant 0 : i32
      %dma_start3A_42 = tpu.memref_slice %arg6[%dma_start3A, %dma_start3A_40, %dma_start3A_41] : memref<4x128x128xf32, #tpu.memory_space<vmem>> -> memref<1x128x128xf32, #tpu.memory_space<vmem>>
      %dma_start3A_43 = tpu.memref_squeeze %dma_start3A_42 : memref<1x128x128xf32, #tpu.memory_space<vmem>> -> memref<128x128xf32, #tpu.memory_space<vmem>>
      %dma_start3A_44 = tpu.memref_slice %arg5[%mul3A_38] : memref<3200xi32, #tpu.memory_space<vmem>> -> memref<128xi32, #tpu.memory_space<vmem>>
      %dma_start3A_45 = arith.constant 0 : i32
      %dma_start3A_46 = arith.constant 0 : i32
      %dma_start3A_47 = tpu.memref_slice %arg11[%dma_start3A_45, %dma_start3A_46] : memref<21x128xf32, #tpu.memory_space<vmem_shared>> -> memref<21x128xf32, #tpu.memory_space<vmem_shared>>
      %dma_start3A_48 = tpu.memref_slice %arg8[%dma_start3A_39] : memref<4x!tpu.dma_semaphore, #tpu.memory_space<semaphore_mem>> -> memref<1x!tpu.dma_semaphore, #tpu.memory_space<semaphore_mem>>
      %dma_start3A_49 = tpu.memref_squeeze %dma_start3A_48 : memref<1x!tpu.dma_semaphore, #tpu.memory_space<semaphore_mem>> -> memref<!tpu.dma_semaphore, #tpu.memory_space<semaphore_mem>>
      tpu.enqueue_indirect_dma source(%dma_start3A_47 : memref<21x128xf32, #tpu.memory_space<vmem_shared>>) target(%dma_start3A_43 : memref<128x128xf32, #tpu.memory_space<vmem>>) offsets(%dma_start3A_44 : memref<128xi32, #tpu.memory_space<vmem>>) semaphore(%dma_start3A_49 : memref<!tpu.dma_semaphore, #tpu.memory_space<semaphore_mem>>)
    } else {
    }
    %scan3A = arith.constant 0 : i32
    %scan3A_26 = arith.constant 0 : i32
    %scan3A_27 = arith.constant 7 : i32
    %scan3A_28 = arith.addi %scan3A_26, %scan3A_27 : i32
    %scan3A_29 = arith.constant 1 : i32
    scf.for %scan3A_36 = %scan3A_26 to %scan3A_28 step %scan3A_29  : i32 {
      %mul3A_37 = arith.constant 4 : i32
      %mul3A_38 = arith.muli %scan3A_36, %mul3A_37 : i32
      %add3A_39 = arith.constant 0 : i32
      %add3A_40 = arith.addi %mul3A_38, %add3A_39 : i32
      %ge3A = arith.constant 2 : i32
      %ge3A_41 = arith.cmpi sge, %add3A_40, %ge3A : i32
      %add3A_42 = arith.constant 2 : i32
      %add3A_43 = arith.addi %select_n3A, %add3A_42 : i32
      %lt3A_44 = arith.cmpi slt, %add3A_40, %add3A_43 : i32
      %and3A = arith.andi %ge3A_41, %lt3A_44 : i1
      %convert_element_type3A_45 = arith.extui %and3A : i1 to i32
      %cond3A_46 = arith.constant 0 : i32
      %cond3A_47 = arith.cmpi ne, %convert_element_type3A_45, %cond3A_46 : i32
      scf.if %cond3A_47 {
        %dma_wait3A = arith.constant 2 : i32
        %dma_wait3A_127 = arith.constant 2 : i32
        %dma_wait3A_128 = arith.constant 0 : i32
        %dma_wait3A_129 = arith.constant 0 : i32
        %dma_wait3A_130 = tpu.memref_slice %arg6[%dma_wait3A, %dma_wait3A_128, %dma_wait3A_129] : memref<4x128x128xf32, #tpu.memory_space<vmem>> -> memref<1x128x128xf32, #tpu.memory_space<vmem>>
        %dma_wait3A_131 = tpu.memref_squeeze %dma_wait3A_130 : memref<1x128x128xf32, #tpu.memory_space<vmem>> -> memref<128x128xf32, #tpu.memory_space<vmem>>
        %dma_wait3A_132 = arith.constant 0 : i32
        %dma_wait3A_133 = arith.constant 0 : i32
        %dma_wait3A_134 = tpu.memref_slice %arg4[%dma_wait3A_132, %dma_wait3A_133] : memref<100000x128xf32, #tpu.memory_space<hbm>> -> memref<128x128xf32, #tpu.memory_space<hbm>>
        %dma_wait3A_135 = tpu.memref_slice %arg9[%dma_wait3A_127] : memref<4x!tpu.dma_semaphore, #tpu.memory_space<semaphore_mem>> -> memref<1x!tpu.dma_semaphore, #tpu.memory_space<semaphore_mem>>
        %dma_wait3A_136 = tpu.memref_squeeze %dma_wait3A_135 : memref<1x!tpu.dma_semaphore, #tpu.memory_space<semaphore_mem>> -> memref<!tpu.dma_semaphore, #tpu.memory_space<semaphore_mem>>
        %dma_wait3A_137 = arith.constant 0 : i32
        %dma_wait3A_138 = arith.constant 0 : i32
        %dma_wait3A_139 = tpu.memref_slice %arg4[%dma_wait3A_137, %dma_wait3A_138] : memref<100000x128xf32, #tpu.memory_space<hbm>> -> memref<128x128xf32, #tpu.memory_space<hbm>>
        %dma_wait3A_140 = arith.constant 0 : i32
        %dma_wait3A_141 = arith.constant 0 : i32
        %dma_wait3A_142 = tpu.memref_slice %arg6[%dma_wait3A, %dma_wait3A_140, %dma_wait3A_141] : memref<4x128x128xf32, #tpu.memory_space<vmem>> -> memref<1x128x128xf32, #tpu.memory_space<vmem>>
        %dma_wait3A_143 = tpu.memref_squeeze %dma_wait3A_142 : memref<1x128x128xf32, #tpu.memory_space<vmem>> -> memref<128x128xf32, #tpu.memory_space<vmem>>
        tpu.wait_dma2 semaphore(%dma_wait3A_136 : memref<!tpu.dma_semaphore, #tpu.memory_space<semaphore_mem>>) src(%dma_wait3A_143 : memref<128x128xf32, #tpu.memory_space<vmem>>) dst(%dma_wait3A_139 : memref<128x128xf32, #tpu.memory_space<hbm>>)
      } else {
      }
      %add3A_48 = arith.constant 2 : i32
      %add3A_49 = arith.addi %add3A_40, %add3A_48 : i32
      %lt3A_50 = arith.cmpi slt, %add3A_49, %select_n3A : i32
      %convert_element_type3A_51 = arith.extui %lt3A_50 : i1 to i32
      %cond3A_52 = arith.constant 0 : i32
      %cond3A_53 = arith.cmpi ne, %convert_element_type3A_51, %cond3A_52 : i32
      scf.if %cond3A_53 {
        %add3A_127 = arith.constant 2 : i32
        %add3A_128 = arith.addi %add3A_40, %add3A_127 : i32
        %mul3A_129 = arith.constant 128 : i32
        %mul3A_130 = arith.muli %add3A_128, %mul3A_129 : i32
        %dma_start3A = arith.constant 2 : i32
        %dma_start3A_131 = arith.constant 2 : i32
        %dma_start3A_132 = arith.constant 0 : i32
        %dma_start3A_133 = arith.constant 0 : i32
        %dma_start3A_134 = tpu.memref_slice %arg6[%dma_start3A, %dma_start3A_132, %dma_start3A_133] : memref<4x128x128xf32, #tpu.memory_space<vmem>> -> memref<1x128x128xf32, #tpu.memory_space<vmem>>
        %dma_start3A_135 = tpu.memref_squeeze %dma_start3A_134 : memref<1x128x128xf32, #tpu.memory_space<vmem>> -> memref<128x128xf32, #tpu.memory_space<vmem>>
        %dma_start3A_136 = tpu.memref_slice %arg5[%mul3A_130] : memref<3200xi32, #tpu.memory_space<vmem>> -> memref<128xi32, #tpu.memory_space<vmem>>
        %dma_start3A_137 = arith.constant 0 : i32
        %dma_start3A_138 = arith.constant 0 : i32
        %dma_start3A_139 = tpu.memref_slice %arg11[%dma_start3A_137, %dma_start3A_138] : memref<21x128xf32, #tpu.memory_space<vmem_shared>> -> memref<21x128xf32, #tpu.memory_space<vmem_shared>>
        %dma_start3A_140 = tpu.memref_slice %arg8[%dma_start3A_131] : memref<4x!tpu.dma_semaphore, #tpu.memory_space<semaphore_mem>> -> memref<1x!tpu.dma_semaphore, #tpu.memory_space<semaphore_mem>>
        %dma_start3A_141 = tpu.memref_squeeze %dma_start3A_140 : memref<1x!tpu.dma_semaphore, #tpu.memory_space<semaphore_mem>> -> memref<!tpu.dma_semaphore, #tpu.memory_space<semaphore_mem>>
        tpu.enqueue_indirect_dma source(%dma_start3A_139 : memref<21x128xf32, #tpu.memory_space<vmem_shared>>) target(%dma_start3A_135 : memref<128x128xf32, #tpu.memory_space<vmem>>) offsets(%dma_start3A_136 : memref<128xi32, #tpu.memory_space<vmem>>) semaphore(%dma_start3A_141 : memref<!tpu.dma_semaphore, #tpu.memory_space<semaphore_mem>>)
      } else {
      }
      %lt3A_54 = arith.cmpi slt, %add3A_40, %select_n3A : i32
      %convert_element_type3A_55 = arith.extui %lt3A_54 : i1 to i32
      %cond3A_56 = arith.constant 0 : i32
      %cond3A_57 = arith.cmpi ne, %convert_element_type3A_55, %cond3A_56 : i32
      scf.if %cond3A_57 {
        %dma_wait3A = arith.constant 0 : i32
        %dma_wait3A_127 = arith.constant 0 : i32
        %dma_wait3A_128 = arith.constant 0 : i32
        %dma_wait3A_129 = arith.constant 0 : i32
        %dma_wait3A_130 = tpu.memref_slice %arg6[%dma_wait3A, %dma_wait3A_128, %dma_wait3A_129] : memref<4x128x128xf32, #tpu.memory_space<vmem>> -> memref<1x128x128xf32, #tpu.memory_space<vmem>>
        %dma_wait3A_131 = tpu.memref_squeeze %dma_wait3A_130 : memref<1x128x128xf32, #tpu.memory_space<vmem>> -> memref<128x128xf32, #tpu.memory_space<vmem>>
        %dma_wait3A_132 = arith.constant 0 : i32
        %dma_wait3A_133 = arith.constant 0 : i32
        %dma_wait3A_134 = tpu.memref_slice %arg4[%dma_wait3A_132, %dma_wait3A_133] : memref<100000x128xf32, #tpu.memory_space<hbm>> -> memref<128x128xf32, #tpu.memory_space<hbm>>
        %dma_wait3A_135 = tpu.memref_slice %arg8[%dma_wait3A_127] : memref<4x!tpu.dma_semaphore, #tpu.memory_space<semaphore_mem>> -> memref<1x!tpu.dma_semaphore, #tpu.memory_space<semaphore_mem>>
        %dma_wait3A_136 = tpu.memref_squeeze %dma_wait3A_135 : memref<1x!tpu.dma_semaphore, #tpu.memory_space<semaphore_mem>> -> memref<!tpu.dma_semaphore, #tpu.memory_space<semaphore_mem>>
        %dma_wait3A_137 = arith.constant 0 : i32
        %dma_wait3A_138 = arith.constant 0 : i32
        %dma_wait3A_139 = tpu.memref_slice %arg6[%dma_wait3A, %dma_wait3A_137, %dma_wait3A_138] : memref<4x128x128xf32, #tpu.memory_space<vmem>> -> memref<1x128x128xf32, #tpu.memory_space<vmem>>
        %dma_wait3A_140 = tpu.memref_squeeze %dma_wait3A_139 : memref<1x128x128xf32, #tpu.memory_space<vmem>> -> memref<128x128xf32, #tpu.memory_space<vmem>>
        %dma_wait3A_141 = arith.constant 0 : i32
        %dma_wait3A_142 = arith.constant 0 : i32
        %dma_wait3A_143 = tpu.memref_slice %arg4[%dma_wait3A_141, %dma_wait3A_142] : memref<100000x128xf32, #tpu.memory_space<hbm>> -> memref<128x128xf32, #tpu.memory_space<hbm>>
        tpu.wait_dma2 semaphore(%dma_wait3A_136 : memref<!tpu.dma_semaphore, #tpu.memory_space<semaphore_mem>>) src(%dma_wait3A_143 : memref<128x128xf32, #tpu.memory_space<hbm>>) dst(%dma_wait3A_140 : memref<128x128xf32, #tpu.memory_space<vmem>>)
        %add3A_144 = arith.addi %mul3A_2, %add3A_40 : i32
        %mul3A_145 = arith.constant 128 : i32
        %mul3A_146 = arith.muli %add3A_144, %mul3A_145 : i32
        %dma_start3A = arith.constant 0 : i32
        %dma_start3A_147 = arith.constant 0 : i32
        %dma_start3A_148 = arith.constant 0 : i32
        %dma_start3A_149 = arith.constant 0 : i32
        %dma_start3A_150 = tpu.memref_slice %arg6[%dma_start3A, %dma_start3A_148, %dma_start3A_149] : memref<4x128x128xf32, #tpu.memory_space<vmem>> -> memref<1x128x128xf32, #tpu.memory_space<vmem>>
        %dma_start3A_151 = tpu.memref_squeeze %dma_start3A_150 : memref<1x128x128xf32, #tpu.memory_space<vmem>> -> memref<128x128xf32, #tpu.memory_space<vmem>>
        %dma_start3A_152 = arith.constant 0 : i32
        %dma_start3A_153 = tpu.memref_slice %arg4[%mul3A_146, %dma_start3A_152] : memref<100000x128xf32, #tpu.memory_space<hbm>> -> memref<128x128xf32, #tpu.memory_space<hbm>>
        %dma_start3A_154 = tpu.memref_slice %arg9[%dma_start3A_147] : memref<4x!tpu.dma_semaphore, #tpu.memory_space<semaphore_mem>> -> memref<1x!tpu.dma_semaphore, #tpu.memory_space<semaphore_mem>>
        %dma_start3A_155 = tpu.memref_squeeze %dma_start3A_154 : memref<1x!tpu.dma_semaphore, #tpu.memory_space<semaphore_mem>> -> memref<!tpu.dma_semaphore, #tpu.memory_space<semaphore_mem>>
        %dma_start3A_156 = arith.constant 0 : i32
        %dma_start3A_157 = tpu.memref_slice %arg4[%mul3A_146, %dma_start3A_156] : memref<100000x128xf32, #tpu.memory_space<hbm>> -> memref<128x128xf32, #tpu.memory_space<hbm>>
        %dma_start3A_158 = arith.constant 0 : i32
        %dma_start3A_159 = arith.constant 0 : i32
        %dma_start3A_160 = tpu.memref_slice %arg6[%dma_start3A, %dma_start3A_158, %dma_start3A_159] : memref<4x128x128xf32, #tpu.memory_space<vmem>> -> memref<1x128x128xf32, #tpu.memory_space<vmem>>
        %dma_start3A_161 = tpu.memref_squeeze %dma_start3A_160 : memref<1x128x128xf32, #tpu.memory_space<vmem>> -> memref<128x128xf32, #tpu.memory_space<vmem>>
        tpu.enqueue_dma source(%dma_start3A_161 : memref<128x128xf32, #tpu.memory_space<vmem>>) target(%dma_start3A_157 : memref<128x128xf32, #tpu.memory_space<hbm>>) target_semaphore(%dma_start3A_155 : memref<!tpu.dma_semaphore, #tpu.memory_space<semaphore_mem>>)
      } else {
      }
      %mul3A_58 = arith.constant 4 : i32
      %mul3A_59 = arith.muli %scan3A_36, %mul3A_58 : i32
      %add3A_60 = arith.constant 1 : i32
      %add3A_61 = arith.addi %mul3A_59, %add3A_60 : i32
      %ge3A_62 = arith.constant 2 : i32
      %ge3A_63 = arith.cmpi sge, %add3A_61, %ge3A_62 : i32
      %add3A_64 = arith.constant 2 : i32
      %add3A_65 = arith.addi %select_n3A, %add3A_64 : i32
      %lt3A_66 = arith.cmpi slt, %add3A_61, %add3A_65 : i32
      %and3A_67 = arith.andi %ge3A_63, %lt3A_66 : i1
      %convert_element_type3A_68 = arith.extui %and3A_67 : i1 to i32
      %cond3A_69 = arith.constant 0 : i32
      %cond3A_70 = arith.cmpi ne, %convert_element_type3A_68, %cond3A_69 : i32
      scf.if %cond3A_70 {
        %dma_wait3A = arith.constant 3 : i32
        %dma_wait3A_127 = arith.constant 3 : i32
        %dma_wait3A_128 = arith.constant 0 : i32
        %dma_wait3A_129 = arith.constant 0 : i32
        %dma_wait3A_130 = tpu.memref_slice %arg6[%dma_wait3A, %dma_wait3A_128, %dma_wait3A_129] : memref<4x128x128xf32, #tpu.memory_space<vmem>> -> memref<1x128x128xf32, #tpu.memory_space<vmem>>
        %dma_wait3A_131 = tpu.memref_squeeze %dma_wait3A_130 : memref<1x128x128xf32, #tpu.memory_space<vmem>> -> memref<128x128xf32, #tpu.memory_space<vmem>>
        %dma_wait3A_132 = arith.constant 0 : i32
        %dma_wait3A_133 = arith.constant 0 : i32
        %dma_wait3A_134 = tpu.memref_slice %arg4[%dma_wait3A_132, %dma_wait3A_133] : memref<100000x128xf32, #tpu.memory_space<hbm>> -> memref<128x128xf32, #tpu.memory_space<hbm>>
        %dma_wait3A_135 = tpu.memref_slice %arg9[%dma_wait3A_127] : memref<4x!tpu.dma_semaphore, #tpu.memory_space<semaphore_mem>> -> memref<1x!tpu.dma_semaphore, #tpu.memory_space<semaphore_mem>>
        %dma_wait3A_136 = tpu.memref_squeeze %dma_wait3A_135 : memref<1x!tpu.dma_semaphore, #tpu.memory_space<semaphore_mem>> -> memref<!tpu.dma_semaphore, #tpu.memory_space<semaphore_mem>>
        %dma_wait3A_137 = arith.constant 0 : i32
        %dma_wait3A_138 = arith.constant 0 : i32
        %dma_wait3A_139 = tpu.memref_slice %arg4[%dma_wait3A_137, %dma_wait3A_138] : memref<100000x128xf32, #tpu.memory_space<hbm>> -> memref<128x128xf32, #tpu.memory_space<hbm>>
        %dma_wait3A_140 = arith.constant 0 : i32
        %dma_wait3A_141 = arith.constant 0 : i32
        %dma_wait3A_142 = tpu.memref_slice %arg6[%dma_wait3A, %dma_wait3A_140, %dma_wait3A_141] : memref<4x128x128xf32, #tpu.memory_space<vmem>> -> memref<1x128x128xf32, #tpu.memory_space<vmem>>
        %dma_wait3A_143 = tpu.memref_squeeze %dma_wait3A_142 : memref<1x128x128xf32, #tpu.memory_space<vmem>> -> memref<128x128xf32, #tpu.memory_space<vmem>>
        tpu.wait_dma2 semaphore(%dma_wait3A_136 : memref<!tpu.dma_semaphore, #tpu.memory_space<semaphore_mem>>) src(%dma_wait3A_143 : memref<128x128xf32, #tpu.memory_space<vmem>>) dst(%dma_wait3A_139 : memref<128x128xf32, #tpu.memory_space<hbm>>)
      } else {
      }
      %add3A_71 = arith.constant 2 : i32
      %add3A_72 = arith.addi %add3A_61, %add3A_71 : i32
      %lt3A_73 = arith.cmpi slt, %add3A_72, %select_n3A : i32
      %convert_element_type3A_74 = arith.extui %lt3A_73 : i1 to i32
      %cond3A_75 = arith.constant 0 : i32
      %cond3A_76 = arith.cmpi ne, %convert_element_type3A_74, %cond3A_75 : i32
      scf.if %cond3A_76 {
        %add3A_127 = arith.constant 2 : i32
        %add3A_128 = arith.addi %add3A_61, %add3A_127 : i32
        %mul3A_129 = arith.constant 128 : i32
        %mul3A_130 = arith.muli %add3A_128, %mul3A_129 : i32
        %dma_start3A = arith.constant 3 : i32
        %dma_start3A_131 = arith.constant 3 : i32
        %dma_start3A_132 = arith.constant 0 : i32
        %dma_start3A_133 = arith.constant 0 : i32
        %dma_start3A_134 = tpu.memref_slice %arg6[%dma_start3A, %dma_start3A_132, %dma_start3A_133] : memref<4x128x128xf32, #tpu.memory_space<vmem>> -> memref<1x128x128xf32, #tpu.memory_space<vmem>>
        %dma_start3A_135 = tpu.memref_squeeze %dma_start3A_134 : memref<1x128x128xf32, #tpu.memory_space<vmem>> -> memref<128x128xf32, #tpu.memory_space<vmem>>
        %dma_start3A_136 = tpu.memref_slice %arg5[%mul3A_130] : memref<3200xi32, #tpu.memory_space<vmem>> -> memref<128xi32, #tpu.memory_space<vmem>>
        %dma_start3A_137 = arith.constant 0 : i32
        %dma_start3A_138 = arith.constant 0 : i32
        %dma_start3A_139 = tpu.memref_slice %arg11[%dma_start3A_137, %dma_start3A_138] : memref<21x128xf32, #tpu.memory_space<vmem_shared>> -> memref<21x128xf32, #tpu.memory_space<vmem_shared>>
        %dma_start3A_140 = tpu.memref_slice %arg8[%dma_start3A_131] : memref<4x!tpu.dma_semaphore, #tpu.memory_space<semaphore_mem>> -> memref<1x!tpu.dma_semaphore, #tpu.memory_space<semaphore_mem>>
        %dma_start3A_141 = tpu.memref_squeeze %dma_start3A_140 : memref<1x!tpu.dma_semaphore, #tpu.memory_space<semaphore_mem>> -> memref<!tpu.dma_semaphore, #tpu.memory_space<semaphore_mem>>
        tpu.enqueue_indirect_dma source(%dma_start3A_139 : memref<21x128xf32, #tpu.memory_space<vmem_shared>>) target(%dma_start3A_135 : memref<128x128xf32, #tpu.memory_space<vmem>>) offsets(%dma_start3A_136 : memref<128xi32, #tpu.memory_space<vmem>>) semaphore(%dma_start3A_141 : memref<!tpu.dma_semaphore, #tpu.memory_space<semaphore_mem>>)
      } else {
      }
      %lt3A_77 = arith.cmpi slt, %add3A_61, %select_n3A : i32
      %convert_element_type3A_78 = arith.extui %lt3A_77 : i1 to i32
      %cond3A_79 = arith.constant 0 : i32
      %cond3A_80 = arith.cmpi ne, %convert_element_type3A_78, %cond3A_79 : i32
      scf.if %cond3A_80 {
        %dma_wait3A = arith.constant 1 : i32
        %dma_wait3A_127 = arith.constant 1 : i32
        %dma_wait3A_128 = arith.constant 0 : i32
        %dma_wait3A_129 = arith.constant 0 : i32
        %dma_wait3A_130 = tpu.memref_slice %arg6[%dma_wait3A, %dma_wait3A_128, %dma_wait3A_129] : memref<4x128x128xf32, #tpu.memory_space<vmem>> -> memref<1x128x128xf32, #tpu.memory_space<vmem>>
        %dma_wait3A_131 = tpu.memref_squeeze %dma_wait3A_130 : memref<1x128x128xf32, #tpu.memory_space<vmem>> -> memref<128x128xf32, #tpu.memory_space<vmem>>
        %dma_wait3A_132 = arith.constant 0 : i32
        %dma_wait3A_133 = arith.constant 0 : i32
        %dma_wait3A_134 = tpu.memref_slice %arg4[%dma_wait3A_132, %dma_wait3A_133] : memref<100000x128xf32, #tpu.memory_space<hbm>> -> memref<128x128xf32, #tpu.memory_space<hbm>>
        %dma_wait3A_135 = tpu.memref_slice %arg8[%dma_wait3A_127] : memref<4x!tpu.dma_semaphore, #tpu.memory_space<semaphore_mem>> -> memref<1x!tpu.dma_semaphore, #tpu.memory_space<semaphore_mem>>
        %dma_wait3A_136 = tpu.memref_squeeze %dma_wait3A_135 : memref<1x!tpu.dma_semaphore, #tpu.memory_space<semaphore_mem>> -> memref<!tpu.dma_semaphore, #tpu.memory_space<semaphore_mem>>
        %dma_wait3A_137 = arith.constant 0 : i32
        %dma_wait3A_138 = arith.constant 0 : i32
        %dma_wait3A_139 = tpu.memref_slice %arg6[%dma_wait3A, %dma_wait3A_137, %dma_wait3A_138] : memref<4x128x128xf32, #tpu.memory_space<vmem>> -> memref<1x128x128xf32, #tpu.memory_space<vmem>>
        %dma_wait3A_140 = tpu.memref_squeeze %dma_wait3A_139 : memref<1x128x128xf32, #tpu.memory_space<vmem>> -> memref<128x128xf32, #tpu.memory_space<vmem>>
        %dma_wait3A_141 = arith.constant 0 : i32
        %dma_wait3A_142 = arith.constant 0 : i32
        %dma_wait3A_143 = tpu.memref_slice %arg4[%dma_wait3A_141, %dma_wait3A_142] : memref<100000x128xf32, #tpu.memory_space<hbm>> -> memref<128x128xf32, #tpu.memory_space<hbm>>
        tpu.wait_dma2 semaphore(%dma_wait3A_136 : memref<!tpu.dma_semaphore, #tpu.memory_space<semaphore_mem>>) src(%dma_wait3A_143 : memref<128x128xf32, #tpu.memory_space<hbm>>) dst(%dma_wait3A_140 : memref<128x128xf32, #tpu.memory_space<vmem>>)
        %add3A_144 = arith.addi %mul3A_2, %add3A_61 : i32
        %mul3A_145 = arith.constant 128 : i32
        %mul3A_146 = arith.muli %add3A_144, %mul3A_145 : i32
        %dma_start3A = arith.constant 1 : i32
        %dma_start3A_147 = arith.constant 1 : i32
        %dma_start3A_148 = arith.constant 0 : i32
        %dma_start3A_149 = arith.constant 0 : i32
        %dma_start3A_150 = tpu.memref_slice %arg6[%dma_start3A, %dma_start3A_148, %dma_start3A_149] : memref<4x128x128xf32, #tpu.memory_space<vmem>> -> memref<1x128x128xf32, #tpu.memory_space<vmem>>
        %dma_start3A_151 = tpu.memref_squeeze %dma_start3A_150 : memref<1x128x128xf32, #tpu.memory_space<vmem>> -> memref<128x128xf32, #tpu.memory_space<vmem>>
        %dma_start3A_152 = arith.constant 0 : i32
        %dma_start3A_153 = tpu.memref_slice %arg4[%mul3A_146, %dma_start3A_152] : memref<100000x128xf32, #tpu.memory_space<hbm>> -> memref<128x128xf32, #tpu.memory_space<hbm>>
        %dma_start3A_154 = tpu.memref_slice %arg9[%dma_start3A_147] : memref<4x!tpu.dma_semaphore, #tpu.memory_space<semaphore_mem>> -> memref<1x!tpu.dma_semaphore, #tpu.memory_space<semaphore_mem>>
        %dma_start3A_155 = tpu.memref_squeeze %dma_start3A_154 : memref<1x!tpu.dma_semaphore, #tpu.memory_space<semaphore_mem>> -> memref<!tpu.dma_semaphore, #tpu.memory_space<semaphore_mem>>
        %dma_start3A_156 = arith.constant 0 : i32
        %dma_start3A_157 = tpu.memref_slice %arg4[%mul3A_146, %dma_start3A_156] : memref<100000x128xf32, #tpu.memory_space<hbm>> -> memref<128x128xf32, #tpu.memory_space<hbm>>
        %dma_start3A_158 = arith.constant 0 : i32
        %dma_start3A_159 = arith.constant 0 : i32
        %dma_start3A_160 = tpu.memref_slice %arg6[%dma_start3A, %dma_start3A_158, %dma_start3A_159] : memref<4x128x128xf32, #tpu.memory_space<vmem>> -> memref<1x128x128xf32, #tpu.memory_space<vmem>>
        %dma_start3A_161 = tpu.memref_squeeze %dma_start3A_160 : memref<1x128x128xf32, #tpu.memory_space<vmem>> -> memref<128x128xf32, #tpu.memory_space<vmem>>
        tpu.enqueue_dma source(%dma_start3A_161 : memref<128x128xf32, #tpu.memory_space<vmem>>) target(%dma_start3A_157 : memref<128x128xf32, #tpu.memory_space<hbm>>) target_semaphore(%dma_start3A_155 : memref<!tpu.dma_semaphore, #tpu.memory_space<semaphore_mem>>)
      } else {
      }
      %mul3A_81 = arith.constant 4 : i32
      %mul3A_82 = arith.muli %scan3A_36, %mul3A_81 : i32
      %add3A_83 = arith.constant 2 : i32
      %add3A_84 = arith.addi %mul3A_82, %add3A_83 : i32
      %ge3A_85 = arith.constant 2 : i32
      %ge3A_86 = arith.cmpi sge, %add3A_84, %ge3A_85 : i32
      %add3A_87 = arith.constant 2 : i32
      %add3A_88 = arith.addi %select_n3A, %add3A_87 : i32
      %lt3A_89 = arith.cmpi slt, %add3A_84, %add3A_88 : i32
      %and3A_90 = arith.andi %ge3A_86, %lt3A_89 : i1
      %convert_element_type3A_91 = arith.extui %and3A_90 : i1 to i32
      %cond3A_92 = arith.constant 0 : i32
      %cond3A_93 = arith.cmpi ne, %convert_element_type3A_91, %cond3A_92 : i32
      scf.if %cond3A_93 {
        %dma_wait3A = arith.constant 0 : i32
        %dma_wait3A_127 = arith.constant 0 : i32
        %dma_wait3A_128 = arith.constant 0 : i32
        %dma_wait3A_129 = arith.constant 0 : i32
        %dma_wait3A_130 = tpu.memref_slice %arg6[%dma_wait3A, %dma_wait3A_128, %dma_wait3A_129] : memref<4x128x128xf32, #tpu.memory_space<vmem>> -> memref<1x128x128xf32, #tpu.memory_space<vmem>>
        %dma_wait3A_131 = tpu.memref_squeeze %dma_wait3A_130 : memref<1x128x128xf32, #tpu.memory_space<vmem>> -> memref<128x128xf32, #tpu.memory_space<vmem>>
        %dma_wait3A_132 = arith.constant 0 : i32
        %dma_wait3A_133 = arith.constant 0 : i32
        %dma_wait3A_134 = tpu.memref_slice %arg4[%dma_wait3A_132, %dma_wait3A_133] : memref<100000x128xf32, #tpu.memory_space<hbm>> -> memref<128x128xf32, #tpu.memory_space<hbm>>
        %dma_wait3A_135 = tpu.memref_slice %arg9[%dma_wait3A_127] : memref<4x!tpu.dma_semaphore, #tpu.memory_space<semaphore_mem>> -> memref<1x!tpu.dma_semaphore, #tpu.memory_space<semaphore_mem>>
        %dma_wait3A_136 = tpu.memref_squeeze %dma_wait3A_135 : memref<1x!tpu.dma_semaphore, #tpu.memory_space<semaphore_mem>> -> memref<!tpu.dma_semaphore, #tpu.memory_space<semaphore_mem>>
        %dma_wait3A_137 = arith.constant 0 : i32
        %dma_wait3A_138 = arith.constant 0 : i32
        %dma_wait3A_139 = tpu.memref_slice %arg4[%dma_wait3A_137, %dma_wait3A_138] : memref<100000x128xf32, #tpu.memory_space<hbm>> -> memref<128x128xf32, #tpu.memory_space<hbm>>
        %dma_wait3A_140 = arith.constant 0 : i32
        %dma_wait3A_141 = arith.constant 0 : i32
        %dma_wait3A_142 = tpu.memref_slice %arg6[%dma_wait3A, %dma_wait3A_140, %dma_wait3A_141] : memref<4x128x128xf32, #tpu.memory_space<vmem>> -> memref<1x128x128xf32, #tpu.memory_space<vmem>>
        %dma_wait3A_143 = tpu.memref_squeeze %dma_wait3A_142 : memref<1x128x128xf32, #tpu.memory_space<vmem>> -> memref<128x128xf32, #tpu.memory_space<vmem>>
        tpu.wait_dma2 semaphore(%dma_wait3A_136 : memref<!tpu.dma_semaphore, #tpu.memory_space<semaphore_mem>>) src(%dma_wait3A_143 : memref<128x128xf32, #tpu.memory_space<vmem>>) dst(%dma_wait3A_139 : memref<128x128xf32, #tpu.memory_space<hbm>>)
      } else {
      }
      %add3A_94 = arith.constant 2 : i32
      %add3A_95 = arith.addi %add3A_84, %add3A_94 : i32
      %lt3A_96 = arith.cmpi slt, %add3A_95, %select_n3A : i32
      %convert_element_type3A_97 = arith.extui %lt3A_96 : i1 to i32
      %cond3A_98 = arith.constant 0 : i32
      %cond3A_99 = arith.cmpi ne, %convert_element_type3A_97, %cond3A_98 : i32
      scf.if %cond3A_99 {
        %add3A_127 = arith.constant 2 : i32
        %add3A_128 = arith.addi %add3A_84, %add3A_127 : i32
        %mul3A_129 = arith.constant 128 : i32
        %mul3A_130 = arith.muli %add3A_128, %mul3A_129 : i32
        %dma_start3A = arith.constant 0 : i32
        %dma_start3A_131 = arith.constant 0 : i32
        %dma_start3A_132 = arith.constant 0 : i32
        %dma_start3A_133 = arith.constant 0 : i32
        %dma_start3A_134 = tpu.memref_slice %arg6[%dma_start3A, %dma_start3A_132, %dma_start3A_133] : memref<4x128x128xf32, #tpu.memory_space<vmem>> -> memref<1x128x128xf32, #tpu.memory_space<vmem>>
        %dma_start3A_135 = tpu.memref_squeeze %dma_start3A_134 : memref<1x128x128xf32, #tpu.memory_space<vmem>> -> memref<128x128xf32, #tpu.memory_space<vmem>>
        %dma_start3A_136 = tpu.memref_slice %arg5[%mul3A_130] : memref<3200xi32, #tpu.memory_space<vmem>> -> memref<128xi32, #tpu.memory_space<vmem>>
        %dma_start3A_137 = arith.constant 0 : i32
        %dma_start3A_138 = arith.constant 0 : i32
        %dma_start3A_139 = tpu.memref_slice %arg11[%dma_start3A_137, %dma_start3A_138] : memref<21x128xf32, #tpu.memory_space<vmem_shared>> -> memref<21x128xf32, #tpu.memory_space<vmem_shared>>
        %dma_start3A_140 = tpu.memref_slice %arg8[%dma_start3A_131] : memref<4x!tpu.dma_semaphore, #tpu.memory_space<semaphore_mem>> -> memref<1x!tpu.dma_semaphore, #tpu.memory_space<semaphore_mem>>
        %dma_start3A_141 = tpu.memref_squeeze %dma_start3A_140 : memref<1x!tpu.dma_semaphore, #tpu.memory_space<semaphore_mem>> -> memref<!tpu.dma_semaphore, #tpu.memory_space<semaphore_mem>>
        tpu.enqueue_indirect_dma source(%dma_start3A_139 : memref<21x128xf32, #tpu.memory_space<vmem_shared>>) target(%dma_start3A_135 : memref<128x128xf32, #tpu.memory_space<vmem>>) offsets(%dma_start3A_136 : memref<128xi32, #tpu.memory_space<vmem>>) semaphore(%dma_start3A_141 : memref<!tpu.dma_semaphore, #tpu.memory_space<semaphore_mem>>)
      } else {
      }
      %lt3A_100 = arith.cmpi slt, %add3A_84, %select_n3A : i32
      %convert_element_type3A_101 = arith.extui %lt3A_100 : i1 to i32
      %cond3A_102 = arith.constant 0 : i32
      %cond3A_103 = arith.cmpi ne, %convert_element_type3A_101, %cond3A_102 : i32
      scf.if %cond3A_103 {
        %dma_wait3A = arith.constant 2 : i32
        %dma_wait3A_127 = arith.constant 2 : i32
        %dma_wait3A_128 = arith.constant 0 : i32
        %dma_wait3A_129 = arith.constant 0 : i32
        %dma_wait3A_130 = tpu.memref_slice %arg6[%dma_wait3A, %dma_wait3A_128, %dma_wait3A_129] : memref<4x128x128xf32, #tpu.memory_space<vmem>> -> memref<1x128x128xf32, #tpu.memory_space<vmem>>
        %dma_wait3A_131 = tpu.memref_squeeze %dma_wait3A_130 : memref<1x128x128xf32, #tpu.memory_space<vmem>> -> memref<128x128xf32, #tpu.memory_space<vmem>>
        %dma_wait3A_132 = arith.constant 0 : i32
        %dma_wait3A_133 = arith.constant 0 : i32
        %dma_wait3A_134 = tpu.memref_slice %arg4[%dma_wait3A_132, %dma_wait3A_133] : memref<100000x128xf32, #tpu.memory_space<hbm>> -> memref<128x128xf32, #tpu.memory_space<hbm>>
        %dma_wait3A_135 = tpu.memref_slice %arg8[%dma_wait3A_127] : memref<4x!tpu.dma_semaphore, #tpu.memory_space<semaphore_mem>> -> memref<1x!tpu.dma_semaphore, #tpu.memory_space<semaphore_mem>>
        %dma_wait3A_136 = tpu.memref_squeeze %dma_wait3A_135 : memref<1x!tpu.dma_semaphore, #tpu.memory_space<semaphore_mem>> -> memref<!tpu.dma_semaphore, #tpu.memory_space<semaphore_mem>>
        %dma_wait3A_137 = arith.constant 0 : i32
        %dma_wait3A_138 = arith.constant 0 : i32
        %dma_wait3A_139 = tpu.memref_slice %arg6[%dma_wait3A, %dma_wait3A_137, %dma_wait3A_138] : memref<4x128x128xf32, #tpu.memory_space<vmem>> -> memref<1x128x128xf32, #tpu.memory_space<vmem>>
        %dma_wait3A_140 = tpu.memref_squeeze %dma_wait3A_139 : memref<1x128x128xf32, #tpu.memory_space<vmem>> -> memref<128x128xf32, #tpu.memory_space<vmem>>
        %dma_wait3A_141 = arith.constant 0 : i32
        %dma_wait3A_142 = arith.constant 0 : i32
        %dma_wait3A_143 = tpu.memref_slice %arg4[%dma_wait3A_141, %dma_wait3A_142] : memref<100000x128xf32, #tpu.memory_space<hbm>> -> memref<128x128xf32, #tpu.memory_space<hbm>>
        tpu.wait_dma2 semaphore(%dma_wait3A_136 : memref<!tpu.dma_semaphore, #tpu.memory_space<semaphore_mem>>) src(%dma_wait3A_143 : memref<128x128xf32, #tpu.memory_space<hbm>>) dst(%dma_wait3A_140 : memref<128x128xf32, #tpu.memory_space<vmem>>)
        %add3A_144 = arith.addi %mul3A_2, %add3A_84 : i32
        %mul3A_145 = arith.constant 128 : i32
        %mul3A_146 = arith.muli %add3A_144, %mul3A_145 : i32
        %dma_start3A = arith.constant 2 : i32
        %dma_start3A_147 = arith.constant 2 : i32
        %dma_start3A_148 = arith.constant 0 : i32
        %dma_start3A_149 = arith.constant 0 : i32
        %dma_start3A_150 = tpu.memref_slice %arg6[%dma_start3A, %dma_start3A_148, %dma_start3A_149] : memref<4x128x128xf32, #tpu.memory_space<vmem>> -> memref<1x128x128xf32, #tpu.memory_space<vmem>>
        %dma_start3A_151 = tpu.memref_squeeze %dma_start3A_150 : memref<1x128x128xf32, #tpu.memory_space<vmem>> -> memref<128x128xf32, #tpu.memory_space<vmem>>
        %dma_start3A_152 = arith.constant 0 : i32
        %dma_start3A_153 = tpu.memref_slice %arg4[%mul3A_146, %dma_start3A_152] : memref<100000x128xf32, #tpu.memory_space<hbm>> -> memref<128x128xf32, #tpu.memory_space<hbm>>
        %dma_start3A_154 = tpu.memref_slice %arg9[%dma_start3A_147] : memref<4x!tpu.dma_semaphore, #tpu.memory_space<semaphore_mem>> -> memref<1x!tpu.dma_semaphore, #tpu.memory_space<semaphore_mem>>
        %dma_start3A_155 = tpu.memref_squeeze %dma_start3A_154 : memref<1x!tpu.dma_semaphore, #tpu.memory_space<semaphore_mem>> -> memref<!tpu.dma_semaphore, #tpu.memory_space<semaphore_mem>>
        %dma_start3A_156 = arith.constant 0 : i32
        %dma_start3A_157 = tpu.memref_slice %arg4[%mul3A_146, %dma_start3A_156] : memref<100000x128xf32, #tpu.memory_space<hbm>> -> memref<128x128xf32, #tpu.memory_space<hbm>>
        %dma_start3A_158 = arith.constant 0 : i32
        %dma_start3A_159 = arith.constant 0 : i32
        %dma_start3A_160 = tpu.memref_slice %arg6[%dma_start3A, %dma_start3A_158, %dma_start3A_159] : memref<4x128x128xf32, #tpu.memory_space<vmem>> -> memref<1x128x128xf32, #tpu.memory_space<vmem>>
        %dma_start3A_161 = tpu.memref_squeeze %dma_start3A_160 : memref<1x128x128xf32, #tpu.memory_space<vmem>> -> memref<128x128xf32, #tpu.memory_space<vmem>>
        tpu.enqueue_dma source(%dma_start3A_161 : memref<128x128xf32, #tpu.memory_space<vmem>>) target(%dma_start3A_157 : memref<128x128xf32, #tpu.memory_space<hbm>>) target_semaphore(%dma_start3A_155 : memref<!tpu.dma_semaphore, #tpu.memory_space<semaphore_mem>>)
      } else {
      }
      %mul3A_104 = arith.constant 4 : i32
      %mul3A_105 = arith.muli %scan3A_36, %mul3A_104 : i32
      %add3A_106 = arith.constant 3 : i32
      %add3A_107 = arith.addi %mul3A_105, %add3A_106 : i32
      %ge3A_108 = arith.constant 2 : i32
      %ge3A_109 = arith.cmpi sge, %add3A_107, %ge3A_108 : i32
      %add3A_110 = arith.constant 2 : i32
      %add3A_111 = arith.addi %select_n3A, %add3A_110 : i32
      %lt3A_112 = arith.cmpi slt, %add3A_107, %add3A_111 : i32
      %and3A_113 = arith.andi %ge3A_109, %lt3A_112 : i1
      %convert_element_type3A_114 = arith.extui %and3A_113 : i1 to i32
      %cond3A_115 = arith.constant 0 : i32
      %cond3A_116 = arith.cmpi ne, %convert_element_type3A_114, %cond3A_115 : i32
      scf.if %cond3A_116 {
        %dma_wait3A = arith.constant 1 : i32
        %dma_wait3A_127 = arith.constant 1 : i32
        %dma_wait3A_128 = arith.constant 0 : i32
        %dma_wait3A_129 = arith.constant 0 : i32
        %dma_wait3A_130 = tpu.memref_slice %arg6[%dma_wait3A, %dma_wait3A_128, %dma_wait3A_129] : memref<4x128x128xf32, #tpu.memory_space<vmem>> -> memref<1x128x128xf32, #tpu.memory_space<vmem>>
        %dma_wait3A_131 = tpu.memref_squeeze %dma_wait3A_130 : memref<1x128x128xf32, #tpu.memory_space<vmem>> -> memref<128x128xf32, #tpu.memory_space<vmem>>
        %dma_wait3A_132 = arith.constant 0 : i32
        %dma_wait3A_133 = arith.constant 0 : i32
        %dma_wait3A_134 = tpu.memref_slice %arg4[%dma_wait3A_132, %dma_wait3A_133] : memref<100000x128xf32, #tpu.memory_space<hbm>> -> memref<128x128xf32, #tpu.memory_space<hbm>>
        %dma_wait3A_135 = tpu.memref_slice %arg9[%dma_wait3A_127] : memref<4x!tpu.dma_semaphore, #tpu.memory_space<semaphore_mem>> -> memref<1x!tpu.dma_semaphore, #tpu.memory_space<semaphore_mem>>
        %dma_wait3A_136 = tpu.memref_squeeze %dma_wait3A_135 : memref<1x!tpu.dma_semaphore, #tpu.memory_space<semaphore_mem>> -> memref<!tpu.dma_semaphore, #tpu.memory_space<semaphore_mem>>
        %dma_wait3A_137 = arith.constant 0 : i32
        %dma_wait3A_138 = arith.constant 0 : i32
        %dma_wait3A_139 = tpu.memref_slice %arg4[%dma_wait3A_137, %dma_wait3A_138] : memref<100000x128xf32, #tpu.memory_space<hbm>> -> memref<128x128xf32, #tpu.memory_space<hbm>>
        %dma_wait3A_140 = arith.constant 0 : i32
        %dma_wait3A_141 = arith.constant 0 : i32
        %dma_wait3A_142 = tpu.memref_slice %arg6[%dma_wait3A, %dma_wait3A_140, %dma_wait3A_141] : memref<4x128x128xf32, #tpu.memory_space<vmem>> -> memref<1x128x128xf32, #tpu.memory_space<vmem>>
        %dma_wait3A_143 = tpu.memref_squeeze %dma_wait3A_142 : memref<1x128x128xf32, #tpu.memory_space<vmem>> -> memref<128x128xf32, #tpu.memory_space<vmem>>
        tpu.wait_dma2 semaphore(%dma_wait3A_136 : memref<!tpu.dma_semaphore, #tpu.memory_space<semaphore_mem>>) src(%dma_wait3A_143 : memref<128x128xf32, #tpu.memory_space<vmem>>) dst(%dma_wait3A_139 : memref<128x128xf32, #tpu.memory_space<hbm>>)
      } else {
      }
      %add3A_117 = arith.constant 2 : i32
      %add3A_118 = arith.addi %add3A_107, %add3A_117 : i32
      %lt3A_119 = arith.cmpi slt, %add3A_118, %select_n3A : i32
      %convert_element_type3A_120 = arith.extui %lt3A_119 : i1 to i32
      %cond3A_121 = arith.constant 0 : i32
      %cond3A_122 = arith.cmpi ne, %convert_element_type3A_120, %cond3A_121 : i32
      scf.if %cond3A_122 {
        %add3A_127 = arith.constant 2 : i32
        %add3A_128 = arith.addi %add3A_107, %add3A_127 : i32
        %mul3A_129 = arith.constant 128 : i32
        %mul3A_130 = arith.muli %add3A_128, %mul3A_129 : i32
        %dma_start3A = arith.constant 1 : i32
        %dma_start3A_131 = arith.constant 1 : i32
        %dma_start3A_132 = arith.constant 0 : i32
        %dma_start3A_133 = arith.constant 0 : i32
        %dma_start3A_134 = tpu.memref_slice %arg6[%dma_start3A, %dma_start3A_132, %dma_start3A_133] : memref<4x128x128xf32, #tpu.memory_space<vmem>> -> memref<1x128x128xf32, #tpu.memory_space<vmem>>
        %dma_start3A_135 = tpu.memref_squeeze %dma_start3A_134 : memref<1x128x128xf32, #tpu.memory_space<vmem>> -> memref<128x128xf32, #tpu.memory_space<vmem>>
        %dma_start3A_136 = tpu.memref_slice %arg5[%mul3A_130] : memref<3200xi32, #tpu.memory_space<vmem>> -> memref<128xi32, #tpu.memory_space<vmem>>
        %dma_start3A_137 = arith.constant 0 : i32
        %dma_start3A_138 = arith.constant 0 : i32
        %dma_start3A_139 = tpu.memref_slice %arg11[%dma_start3A_137, %dma_start3A_138] : memref<21x128xf32, #tpu.memory_space<vmem_shared>> -> memref<21x128xf32, #tpu.memory_space<vmem_shared>>
        %dma_start3A_140 = tpu.memref_slice %arg8[%dma_start3A_131] : memref<4x!tpu.dma_semaphore, #tpu.memory_space<semaphore_mem>> -> memref<1x!tpu.dma_semaphore, #tpu.memory_space<semaphore_mem>>
        %dma_start3A_141 = tpu.memref_squeeze %dma_start3A_140 : memref<1x!tpu.dma_semaphore, #tpu.memory_space<semaphore_mem>> -> memref<!tpu.dma_semaphore, #tpu.memory_space<semaphore_mem>>
        tpu.enqueue_indirect_dma source(%dma_start3A_139 : memref<21x128xf32, #tpu.memory_space<vmem_shared>>) target(%dma_start3A_135 : memref<128x128xf32, #tpu.memory_space<vmem>>) offsets(%dma_start3A_136 : memref<128xi32, #tpu.memory_space<vmem>>) semaphore(%dma_start3A_141 : memref<!tpu.dma_semaphore, #tpu.memory_space<semaphore_mem>>)
      } else {
      }
      %lt3A_123 = arith.cmpi slt, %add3A_107, %select_n3A : i32
      %convert_element_type3A_124 = arith.extui %lt3A_123 : i1 to i32
      %cond3A_125 = arith.constant 0 : i32
      %cond3A_126 = arith.cmpi ne, %convert_element_type3A_124, %cond3A_125 : i32
      scf.if %cond3A_126 {
        %dma_wait3A = arith.constant 3 : i32
        %dma_wait3A_127 = arith.constant 3 : i32
        %dma_wait3A_128 = arith.constant 0 : i32
        %dma_wait3A_129 = arith.constant 0 : i32
        %dma_wait3A_130 = tpu.memref_slice %arg6[%dma_wait3A, %dma_wait3A_128, %dma_wait3A_129] : memref<4x128x128xf32, #tpu.memory_space<vmem>> -> memref<1x128x128xf32, #tpu.memory_space<vmem>>
        %dma_wait3A_131 = tpu.memref_squeeze %dma_wait3A_130 : memref<1x128x128xf32, #tpu.memory_space<vmem>> -> memref<128x128xf32, #tpu.memory_space<vmem>>
        %dma_wait3A_132 = arith.constant 0 : i32
        %dma_wait3A_133 = arith.constant 0 : i32
        %dma_wait3A_134 = tpu.memref_slice %arg4[%dma_wait3A_132, %dma_wait3A_133] : memref<100000x128xf32, #tpu.memory_space<hbm>> -> memref<128x128xf32, #tpu.memory_space<hbm>>
        %dma_wait3A_135 = tpu.memref_slice %arg8[%dma_wait3A_127] : memref<4x!tpu.dma_semaphore, #tpu.memory_space<semaphore_mem>> -> memref<1x!tpu.dma_semaphore, #tpu.memory_space<semaphore_mem>>
        %dma_wait3A_136 = tpu.memref_squeeze %dma_wait3A_135 : memref<1x!tpu.dma_semaphore, #tpu.memory_space<semaphore_mem>> -> memref<!tpu.dma_semaphore, #tpu.memory_space<semaphore_mem>>
        %dma_wait3A_137 = arith.constant 0 : i32
        %dma_wait3A_138 = arith.constant 0 : i32
        %dma_wait3A_139 = tpu.memref_slice %arg6[%dma_wait3A, %dma_wait3A_137, %dma_wait3A_138] : memref<4x128x128xf32, #tpu.memory_space<vmem>> -> memref<1x128x128xf32, #tpu.memory_space<vmem>>
        %dma_wait3A_140 = tpu.memref_squeeze %dma_wait3A_139 : memref<1x128x128xf32, #tpu.memory_space<vmem>> -> memref<128x128xf32, #tpu.memory_space<vmem>>
        %dma_wait3A_141 = arith.constant 0 : i32
        %dma_wait3A_142 = arith.constant 0 : i32
        %dma_wait3A_143 = tpu.memref_slice %arg4[%dma_wait3A_141, %dma_wait3A_142] : memref<100000x128xf32, #tpu.memory_space<hbm>> -> memref<128x128xf32, #tpu.memory_space<hbm>>
        tpu.wait_dma2 semaphore(%dma_wait3A_136 : memref<!tpu.dma_semaphore, #tpu.memory_space<semaphore_mem>>) src(%dma_wait3A_143 : memref<128x128xf32, #tpu.memory_space<hbm>>) dst(%dma_wait3A_140 : memref<128x128xf32, #tpu.memory_space<vmem>>)
        %add3A_144 = arith.addi %mul3A_2, %add3A_107 : i32
        %mul3A_145 = arith.constant 128 : i32
        %mul3A_146 = arith.muli %add3A_144, %mul3A_145 : i32
        %dma_start3A = arith.constant 3 : i32
        %dma_start3A_147 = arith.constant 3 : i32
        %dma_start3A_148 = arith.constant 0 : i32
        %dma_start3A_149 = arith.constant 0 : i32
        %dma_start3A_150 = tpu.memref_slice %arg6[%dma_start3A, %dma_start3A_148, %dma_start3A_149] : memref<4x128x128xf32, #tpu.memory_space<vmem>> -> memref<1x128x128xf32, #tpu.memory_space<vmem>>
        %dma_start3A_151 = tpu.memref_squeeze %dma_start3A_150 : memref<1x128x128xf32, #tpu.memory_space<vmem>> -> memref<128x128xf32, #tpu.memory_space<vmem>>
        %dma_start3A_152 = arith.constant 0 : i32
        %dma_start3A_153 = tpu.memref_slice %arg4[%mul3A_146, %dma_start3A_152] : memref<100000x128xf32, #tpu.memory_space<hbm>> -> memref<128x128xf32, #tpu.memory_space<hbm>>
        %dma_start3A_154 = tpu.memref_slice %arg9[%dma_start3A_147] : memref<4x!tpu.dma_semaphore, #tpu.memory_space<semaphore_mem>> -> memref<1x!tpu.dma_semaphore, #tpu.memory_space<semaphore_mem>>
        %dma_start3A_155 = tpu.memref_squeeze %dma_start3A_154 : memref<1x!tpu.dma_semaphore, #tpu.memory_space<semaphore_mem>> -> memref<!tpu.dma_semaphore, #tpu.memory_space<semaphore_mem>>
        %dma_start3A_156 = arith.constant 0 : i32
        %dma_start3A_157 = tpu.memref_slice %arg4[%mul3A_146, %dma_start3A_156] : memref<100000x128xf32, #tpu.memory_space<hbm>> -> memref<128x128xf32, #tpu.memory_space<hbm>>
        %dma_start3A_158 = arith.constant 0 : i32
        %dma_start3A_159 = arith.constant 0 : i32
        %dma_start3A_160 = tpu.memref_slice %arg6[%dma_start3A, %dma_start3A_158, %dma_start3A_159] : memref<4x128x128xf32, #tpu.memory_space<vmem>> -> memref<1x128x128xf32, #tpu.memory_space<vmem>>
        %dma_start3A_161 = tpu.memref_squeeze %dma_start3A_160 : memref<1x128x128xf32, #tpu.memory_space<vmem>> -> memref<128x128xf32, #tpu.memory_space<vmem>>
        tpu.enqueue_dma source(%dma_start3A_161 : memref<128x128xf32, #tpu.memory_space<vmem>>) target(%dma_start3A_157 : memref<128x128xf32, #tpu.memory_space<hbm>>) target_semaphore(%dma_start3A_155 : memref<!tpu.dma_semaphore, #tpu.memory_space<semaphore_mem>>)
      } else {
      }
    }
    %scan3A_30 = arith.constant 7 : i32
    %eq3A_31 = arith.constant 31 : i32
    %eq3A_32 = arith.cmpi eq, %add3A, %eq3A_31 : i32
    %convert_element_type3A_33 = arith.extui %eq3A_32 : i1 to i32
    %cond3A_34 = arith.constant 0 : i32
    %cond3A_35 = arith.cmpi ne, %convert_element_type3A_33, %cond3A_34 : i32
    scf.if %cond3A_35 {
      %dma_start3A = arith.constant 768 : i32
      %dma_start3A_36 = tpu.memref_slice %arg5[%dma_start3A] : memref<3200xi32, #tpu.memory_space<vmem>> -> memref<32xi32, #tpu.memory_space<vmem>>
      %dma_start3A_37 = arith.constant 0 : i32
      %dma_start3A_38 = arith.constant 0 : i32
      %dma_start3A_39 = tpu.memref_slice %arg11[%dma_start3A_37, %dma_start3A_38] : memref<21x128xf32, #tpu.memory_space<vmem_shared>> -> memref<21x128xf32, #tpu.memory_space<vmem_shared>>
      tpu.enqueue_indirect_dma source(%dma_start3A_39 : memref<21x128xf32, #tpu.memory_space<vmem_shared>>) target(%arg7 : memref<32x128xf32, #tpu.memory_space<vmem>>) offsets(%dma_start3A_36 : memref<32xi32, #tpu.memory_space<vmem>>) semaphore(%arg10 : memref<!tpu.dma_semaphore, #tpu.memory_space<semaphore_mem>>)
      %dma_wait3A = arith.constant 768 : i32
      %dma_wait3A_40 = tpu.memref_slice %arg5[%dma_wait3A] : memref<3200xi32, #tpu.memory_space<vmem>> -> memref<32xi32, #tpu.memory_space<vmem>>
      %dma_wait3A_41 = arith.constant 0 : i32
      %dma_wait3A_42 = arith.constant 0 : i32
      %dma_wait3A_43 = tpu.memref_slice %arg11[%dma_wait3A_41, %dma_wait3A_42] : memref<21x128xf32, #tpu.memory_space<vmem_shared>> -> memref<21x128xf32, #tpu.memory_space<vmem_shared>>
      tpu.wait_indirect_dma semaphore(%arg10 : memref<!tpu.dma_semaphore, #tpu.memory_space<semaphore_mem>>) src(%dma_wait3A_43 : memref<21x128xf32, #tpu.memory_space<vmem_shared>>) dst(%arg7 : memref<32x128xf32, #tpu.memory_space<vmem>>)
      "tpu.region"() ({
        %run_scoped3A = tpu.sem_alloc : memref<!tpu.dma_semaphore, #tpu.memory_space<semaphore_mem>>
        %dma_start3A_44 = arith.constant 99968 : i32
        %dma_start3A_45 = arith.constant 0 : i32
        %dma_start3A_46 = tpu.memref_slice %arg4[%dma_start3A_44, %dma_start3A_45] : memref<100000x128xf32, #tpu.memory_space<hbm>> -> memref<32x128xf32, #tpu.memory_space<hbm>>
        %dma_start3A_47 = arith.constant 99968 : i32
        %dma_start3A_48 = arith.constant 0 : i32
        %dma_start3A_49 = tpu.memref_slice %arg4[%dma_start3A_47, %dma_start3A_48] : memref<100000x128xf32, #tpu.memory_space<hbm>> -> memref<32x128xf32, #tpu.memory_space<hbm>>
        tpu.enqueue_dma source(%arg7 : memref<32x128xf32, #tpu.memory_space<vmem>>) target(%dma_start3A_49 : memref<32x128xf32, #tpu.memory_space<hbm>>) target_semaphore(%run_scoped3A : memref<!tpu.dma_semaphore, #tpu.memory_space<semaphore_mem>>)
        %dma_wait3A_50 = arith.constant 99968 : i32
        %dma_wait3A_51 = arith.constant 0 : i32
        %dma_wait3A_52 = tpu.memref_slice %arg4[%dma_wait3A_50, %dma_wait3A_51] : memref<100000x128xf32, #tpu.memory_space<hbm>> -> memref<32x128xf32, #tpu.memory_space<hbm>>
        %dma_wait3A_53 = arith.constant 99968 : i32
        %dma_wait3A_54 = arith.constant 0 : i32
        %dma_wait3A_55 = tpu.memref_slice %arg4[%dma_wait3A_53, %dma_wait3A_54] : memref<100000x128xf32, #tpu.memory_space<hbm>> -> memref<32x128xf32, #tpu.memory_space<hbm>>
        tpu.wait_dma2 semaphore(%run_scoped3A : memref<!tpu.dma_semaphore, #tpu.memory_space<semaphore_mem>>) src(%arg7 : memref<32x128xf32, #tpu.memory_space<vmem>>) dst(%dma_wait3A_55 : memref<32x128xf32, #tpu.memory_space<hbm>>)
        tpu.yield
      }) : () -> ()
    } else {
    }
    return
  }
}

</mosaic_0001>

<sc_bundles>
// kernel: kernel.3.cloned.1.call-start
scs
__scs_entry_jumppad:
0x0: {  	(pc) =	sbr.rel $0x88, $3  }
0x1: {  	(tag) =	ssettag $0x0;
	lr =	simm.s32 $0x1  }
0x2: {  	[smem:$0x3F9F] =	sst lr;
	_ =	strace $0xD0000000  }
0x3: {  	_ = 	snop  }
0x4: {  	_ = 	snop  }
0x5: {  	_ = 	snop  }
0x6: {  	_ = 	snop  }
0x7: {  	_ = 	snop  }
__scs_overlays_trampoline_lowered:
0x8: {  	[smem:$0x3FAE] =	sst s0  }
0x9: {  	[smem:$0x3FAF] =	sst s1  }
0xa: {  	[smem:$0x3FB0] =	sst s2  }
0xb: {  	[smem:$0x3FB1] =	sst s3  }
0xc: {  	[smem:$0x3FB2] =	sst s4  }
0xd: {  	[smem:$0x3FB3] =	sst s5  }
0xe: {  	[smem:$0x3FB4] =	sst s6  }
0xf: {  	[smem:$0x3FB5] =	sst s7  }
0x10: {  	[smem:$0x3FB6] =	sst s8  }
0x11: {  	[smem:$0x3FB7] =	sst s9;
	s0 =	simm.s32 @!p0 $0x0  }
0x12: {  	s1 =	sld [smem:$0x3F9D];
	s0 =	simm.s32 @p0 $0x1  }
0x13: {  	[smem:$0x3FB8] =	sst s0;
	s0 =	simm.s32 @!p1 $0x0  }
0x14: {  	s2 =	sld [smem:$0x3F9C];
	s0 =	simm.s32 @p1 $0x1  }
0x15: {  	[smem:$0x3FB9] =	sst s0;
	s0 =	simm.s32 @!p2 $0x0  }
0x16: {  	s3 =	sld [smem:$0x3FDB];
	s0 =	simm.s32 @p2 $0x1  }
0x17: {  	s4 =	simm.s32 $0x1BF5;
	[smem:$0x3FBB] =	sst s0  }
0x18: {  	s0 =	sld [smem:$0x3F9E];
	_ =	swait.ge [sflag:s4], $0x0  }
0x19: {  	s7 =	sld [smem:$0x3F9F]  }
0x1a: {  	s8 =	sadd.s32 $0xFFFFE003, lr  }
0x1b: {  	s9 =	sadd.s32 $0xFFFFFEF7, lr;
	s5 =	simm.s32 $0xFFFFFFFF;
	p2 =	slt.u32 s8, $0xFFFFF086  }
0x1c: {  	p1 =	slt.u32 s9, $0xF7A;
	s5 =	simm.s32 @!p2 $0x0  }
0x1d: {  	s5 =	simm.s32 @p1 $0x1;
	p0 =	seq.s32 s7, s2  }
0x1e: {  	s7 =	smul.u32 @!p0 $0xF7A, s2;
	p2 =	seq.s32 @!p0 s5, $0x0  }
0x1f: {  	s9 =	smul.u32 $0xF7A, s1;
	s8 =	simm.s32 @!p0 $0x1BF5;
	p2 =	por !p2, p0  }
0x20: {  	[sflag:s8] =	ssyncset.s32 @!p0 $0xFFFFF086;
	s6 =	sadd.s32 @!p0 s3, s7;
	s7 =	simm.s32 @!p0 $0x108  }
0x21: {  	s3 =	sadd.s32 s3, s9;
	s6 =	sadd.s32 @!p0 $0x88, s6;
	s7 =	simm.s32 @p2 $0x1082  }
0x22: {  	[simem:s7], [sflag:s8] =	dma.local @!p0 [hbm:s6], $0xF7A  }
0x23: {  	s9 =	sor.u32 $0xD0000000, s2;
	s6 =	simm.s32 $0x108;
	_ =	swait.ge @!p0 [sflag:s8], $0x0  }
0x24: {  	s3 =	sadd.s32 $0x88, s3;
	s6 =	simm.s32 @!p1 $0x1082;
	[sflag:s4] =	ssyncset.s32 $0xFFFFF086  }
0x25: {  	[simem:s6], [sflag:s4] =	dma.local [hbm:s3], $0xF7A  }
0x26: {  	[smem:$0x3F9F] =	sst s1;
	(tag) =	ssettag s2;
	_ =	strace s9  }
0x27: {  	s1 =	sld [smem:$0x3FAF]  }
0x28: {  	s2 =	sld [smem:$0x3FB0]  }
0x29: {  	s4 =	sld [smem:$0x3FB2]  }
0x2a: {  	p0 =	seq.s32 s5, $0x0;
	s5 =	sld [smem:$0x3FB3]  }
0x2b: {  	s6 =	sld [smem:$0x3FB4]  }
0x2c: {  	s7 =	sld [smem:$0x3FB5]  }
0x2d: {  	s3 =	simm.s32 $0x108;
	s8 =	sld [smem:$0x3FB6]  }
0x2e: {  	s3 =	simm.s32 @!p0 $0x1082;
	s9 =	sld [smem:$0x3FB7]  }
0x2f: {  	lr =	sadd.s32 s0, s3;
	s0 =	sld [smem:$0x3FAE]  }
0x30: {  	s3 =	sld [smem:$0x3FB1]  }
0x31: {  	[smem:$0x3FBA] =	sst s10  }
0x32: {  	s10 =	sld [smem:$0x3FB8];
	_ =	sdelay $0x3  }
0x33: {  	p0 =	seq.s32 s10, $0x1;
	s10 =	sld [smem:$0x3FBA];
	_ =	sdelay $0x3  }
0x34: {  	[smem:$0x3FBA] =	sst s10  }
0x35: {  	s10 =	sld [smem:$0x3FB9];
	_ =	sdelay $0x3  }
0x36: {  	p1 =	seq.s32 s10, $0x1;
	s10 =	sld [smem:$0x3FBA];
	_ =	sdelay $0x3  }
0x37: {  	[smem:$0x3FBA] =	sst s10  }
0x38: {  	s10 =	sld [smem:$0x3FBB]  }
0x39: {  	_ = 	snop;
	(pc) =	sbr.ind lr, $3  }
0x3a: {  	_ = 	snop  }
0x3b: {  	_ = 	snop  }
0x3c: {  	p2 =	seq.s32 s10, $0x1;
	s10 =	sld [smem:$0x3FBA]  }
0x3d: {  	_ =	shalt  }
0x3e: {  	_ =	shalt  }
0x3f: {  	_ =	shalt  }
0x40: {  	_ =	shalt  }
0x41: {  	_ =	shalt  }
0x42: {  	_ =	shalt  }
0x43: {  	_ =	shalt  }
0x44: {  	_ =	shalt  }
0x45: {  	_ =	shalt  }
0x46: {  	_ =	shalt  }
0x47: {  	_ =	shalt  }
0x48: {  	_ =	shalt  }
0x49: {  	_ =	shalt  }
0x4a: {  	_ =	shalt  }
0x4b: {  	_ =	shalt  }
0x4c: {  	_ =	shalt  }
0x4d: {  	_ =	shalt  }
0x4e: {  	_ =	shalt  }
0x4f: {  	_ =	shalt  }
0x50: {  	_ =	shalt  }
0x51: {  	_ =	shalt  }
0x52: {  	_ =	shalt  }
0x53: {  	_ =	shalt  }
0x54: {  	_ =	shalt  }
0x55: {  	_ =	shalt  }
0x56: {  	_ =	shalt  }
0x57: {  	_ =	shalt  }
0x58: {  	_ =	shalt  }
0x59: {  	_ =	shalt  }
0x5a: {  	_ =	shalt  }
0x5b: {  	_ =	shalt  }
0x5c: {  	_ =	shalt  }
0x5d: {  	_ =	shalt  }
0x5e: {  	_ =	shalt  }
0x5f: {  	_ =	shalt  }
0x60: {  	_ =	shalt  }
0x61: {  	_ =	shalt  }
0x62: {  	_ =	shalt  }
0x63: {  	_ =	shalt  }
0x64: {  	_ =	shalt  }
0x65: {  	_ =	shalt  }
0x66: {  	_ =	shalt  }
0x67: {  	_ =	shalt  }
0x68: {  	_ =	shalt  }
0x69: {  	_ =	shalt  }
0x6a: {  	_ =	shalt  }
0x6b: {  	_ =	shalt  }
0x6c: {  	_ =	shalt  }
0x6d: {  	_ =	shalt  }
0x6e: {  	_ =	shalt  }
0x6f: {  	_ =	shalt  }
0x70: {  	_ =	shalt  }
0x71: {  	_ =	shalt  }
0x72: {  	_ =	shalt  }
0x73: {  	_ =	shalt  }
0x74: {  	_ =	shalt  }
0x75: {  	_ =	shalt  }
0x76: {  	_ =	shalt  }
0x77: {  	_ =	shalt  }
0x78: {  	_ =	shalt  }
0x79: {  	_ =	shalt  }
0x7a: {  	_ =	shalt  }
0x7b: {  	_ =	shalt  }
0x7c: {  	_ =	shalt  }
0x7d: {  	_ =	shalt  }
0x7e: {  	_ =	shalt  }
0x7f: {  	_ =	shalt  }
0x80: {  	_ =	shalt  }
0x81: {  	_ =	shalt  }
0x82: {  	_ =	shalt  }
0x83: {  	_ =	shalt  }
0x84: {  	_ =	shalt  }
0x85: {  	_ =	shalt  }
0x86: {  	_ =	shalt  }
0x87: {  	_ =	shalt  }
.Lfunc_end0:
.L_simem_size_0:
called_computation_lowered:
.L_overlay_start_0:
0x88: {  	s2 =	sld [smem:$0x3FD9]  }
0x89: {  	s3 =	sld [smem:$0x3FFE];
	_ =	sdelay $0x1  }
0x8a: {  	s1 =	srdreg.scid  }
0x8b: {  	s0 =	sand.u32 $0x1, s1  }
0x8c: {  	s18 =	sshll.u32 s0, $0xA;
	s2 =	sadd.s32 s3, s2  }
0x8d: {  	s2 =	sadd.s32 s2, s18  }
0x8e: {  	[smem:$0x3FC6] =	sst s2  }
0x8f: {  	_ = 	snop  }
0x90: {  	s2 =	sld [smem:$0x3FC9]  }
0x91: {  	s19 =	sld [smem:$0x3FC8]  }
0x92: {  	s4 =	sld [smem:$0x3FD0];
	(tm) =	ssettm $0x1  }
0x93: {  	s5 =	sld [smem:$0x3FFB];
	_ =	sdelay $0x3  }
0x94: {  	_ =	strace s5  }
0x95: {  	s5 =	sld [smem:$0x3FFC];
	_ =	sdelay $0x3  }
0x96: {  	_ =	strace s5  }
0x97: {  	s5 =	sld [smem:$0x3FFD];
	_ =	sdelay $0x3  }
0x98: {  	_ =	strace s5  }
0x99: {  	_ =	strace $0x8FFFFFFF  }
0x9a: {  	s20 =	sld [smem:$0x3FDB];
	_ =	sdelay $0x1  }
0x9b: {  	s6 =	simm.s32 $_scs_section_size  }
0x9c: {  	s7 =	simm.s32 $_size__tile_overlayer_lowered;
	s8 =	simm.s32 $_tile_overlayer_lowered  }
0x9d: {  	s23 =	simm.s32 $0x1BFF;
	s22 =	sshll.u32 s8, $0x1;
	s5 =	sadd.s32 s6, s20  }
0x9e: {  	s9 =	simm.s32 $0x0;
	s21 =	sshll.u32 s7, $0x1;
	s7 =	sadd.s32 s22, s5  }
0x9f: {  	[timem:s9], [sflag:s23] =	dma.local [hbm:s7], s21  }
0xa0: {  	_ =	swait.ge [sflag:s23], s21  }
0xa1: {  	s6 =	ssub.s32 $0x0, s21;
	[sflag:s23] =	ssyncset.done $0x0  }
0xa2: {  	[sflag:s23] =	ssyncadd.s32 s6;
	_ =	sdelay $0x1  }
0xa3: {  	s24 =	simm.s32 $0x1B8B  }
0xa4: {  	_ =	swait.ge [sflag:s24], $0x1  }
0xa5: {  	[sflag:s24] =	ssyncset.done $0x0  }
0xa6: {  	s25 =	simm.s32 $0x1B8E;
	[sflag:s24] =	ssyncadd.s32 $0xFFFFFFFF  }
0xa7: {  	s26 =	simm.s32 $execute0_lowered;
	[smem:$0x3FD2] =	sst s25  }
0xa8: {  	s6 =	sshll.u32 s26, $0x1;
	_ =	strace $0x80000046;
	[dreg:$0x1] =	wrdreg $0xFFFFFFFF  }
0xa9: {  	s28 =	simm.s32 $_size_execute0_lowered;
	s5 =	sadd.s32 s5, s6;
	[dreg:$0x0] =	wrdreg $0x0  }
0xaa: {  	s6 =	sshll.u32 s28, $0x1;
	[dreg:$0x2] =	wrdreg s5  }
0xab: {  	[dreg:$0x3] =	wrdreg s6  }
0xac: {  	[dreg:$0x4] =	wrdreg $0xC0  }
0xad: {  	_ =	task [dreg:s9], $0x5FFFF  }
0xae: {  	[dreg:$0x1] =	wrdreg $0xFFFFFFFF  }
0xaf: {  	[dreg:$0x0] =	wrdreg $0x60  }
0xb0: {  	[dreg:$0x2] =	wrdreg s2  }
0xb1: {  	[dreg:$0x3] =	wrdreg s19  }
0xb2: {  	[dreg:$0x4] =	wrdreg s4  }
0xb3: {  	[dreg:$0x5] =	wrdreg $0x11C800  }
0xb4: {  	[dreg:$0x6] =	wrdreg $0x9  }
0xb5: {  	_ =	task.clear_ibuf [dreg:s9], $0x7FFFF;
	_ =	strace $0x90000046  }
0xb6: {  	s29 =	simm.s32 $0x9;
	_ =	strace $0x80000048  }
0xb7: {  	_ =	swait.ge [sflag:s29], $0x1  }
0xb8: {  	[sflag:s29] =	ssyncadd.s32 $0xFFFFFFFF  }
0xb9: {  	_ =	strace $0x90000048  }
0xba: {  	_ =	sfence  }
0xbb: {  	s30 =	sld [smem:$0x0];
	_ =	sdelay $0x2  }
0xbc: {  	s31 =	sshll.u32 s1, $0xD;
	s1 =	sshrl.u32 s1, $0x2  }
0xbd: {  	s3 =	sand.u32 $0x4000, s31;
	s1 =	sadd.s32 s1, s30  }
0xbe: {  	s0 =	sor.u32 s3, s0;
	s1 =	sshll.u32 s1, $0x11  }
0xbf: {  	s0 =	sor.u32 s1, s0  }
0xc0: {  	s0 =	sadd.s32 $0x8F2B, s0  }
0xc1: {  	[sflag:s0] =	ssyncadd.remote.s32 $0x1  }
0xc2: {  	_ =	sfence.sel $0xFFFF  }
0xc3: {  	[dreg:$0x0] =	wrdreg $0xFFFFFFFF;
	(pc) =	sbr.abs _section_cstart, $3  }
0xc4: {  	[dreg:$0x1] =	wrdreg $0xFFFFFFFF  }
0xc5: {  	_ =	task.clear_ibuf [dreg:s9], $0x2FFFF;
	_ =	strace $0x9FFFFFFF  }
0xc6: {  	(tm) =	ssettm $0x7FFFFFFF  }
0xc7: {  	_ =	shalt  }
tec
execute0_lowered:
.L_overlay_start_1:
0x0: {  	(tag) =	ssettag $0x1  }
0x1: {  	s0 =	rddreg [dreg:$0x0]  }
0x2: {  	s1 =	rddreg [dreg:$0x2]  }
0x3: {  	s3 =	srdreg.scid;
	s14 =	stileid.u32  }
0x4: {  	s2 =	rddreg [dreg:$0x3];
	s26 =	simm.s32 $0x0;
	s15 =	simm.s32 $0x80  }
0x5: {  	s8 =	sand.u32 $0x1, s3;
	s4 =	sshll.u32 s14, $0x1;
	s9 =	smul.u32 $0x32, s14  }
0x6: {  	[smem:$0x7FF] =	sst s26;
	s29 =	smul.u32 $0x19000, s14;
	s31 =	sadd.s32 $0x186800, s1  }
0x7: {  	s18 =	sor.u32 s8, s4;
	s5 =	ssub.s32 $0x2, s8;
	s10 =	smul.u32 $0x19, s8  }
0x8: {  	_ =	strace $0x80000047;
	s4 =	simm.s32 $0x6;
	s30 =	smul.u32 $0xC800, s8  }
0x9: {  	[dreg:$0x7] =	wrdreg s31;
	s6 =	smul.u32 $0x190, s18;
	s7 =	sshrl.u32 s5, $0x1  }
0xa: {  	p0 =	seq.s32 s18, $0x1F;
	p2 =	sne.s32 s18, $0x1F;
	s18 =	simm.s32 $0x0  }
0xb: {  	s11 =	ssub.s32 s5, s7;
	s3 =	simm.s32 @!p0 $0x0;
	s4 =	simm.s32 @!p0 $0x19  }
0xc: {  	s9 =	sadd.s32 s10, s9;
	s3 =	simm.s32 @p0 $0x1;
	s28 =	sadd.s32 s0, s6  }
0xd: {  	s0 =	sadd.s32 $0x3070, s0;
	s7 =	sadd.s32 $0x2, s4;
	[smem:$0x7FC] =	sst s3  }
0xe: {  	s9 =	sshll.u32 s9, $0xB;
	p0 =	sne.s32 s14, $0x0;
	[dreg:$0x5] =	wrdreg s28  }
0xf: {  	[dreg:$0x6] =	wrdreg s0;
	s0 =	sadd.s32 s29, s1;
	s1 =	sadd.s32 s1, s9  }
0x10: {  	s9 =	smax.u32 s11, $0x1;
	s10 =	sadd.s32 s30, s0;
	s0 =	simm.s32 @!p0 $0x0  }
0x11: {  	s14 =	sshrl.u32 @!p0 s2, $0x3;
	s11 =	sadd.s32 $0x1800, s1;
	s0 =	simm.s32 @p0 $0x1  }
0x12: {  	s12 =	sadd.s32 $0x800, s1;
	s13 =	sadd.s32 $0x1000, s1;
	[smem:$0x7FD] =	sst s0  }
.LBB2_1:
0x13: {  	s0 =	sld [smem:$0x7FD];
	_ =	sdelay $0x2  }
0x14: {  	p0 =	seq.s32 s0, $0x1  }
0x15: {  	s1 =	rddreg [dreg:$0x1];
	s0 =	simm.s32 @!p0 $0x1C0A  }
0x16: {  	[spmem:s14], [sflag:s0] =	dma.local @!p0 [hbm:s1], $0x150  }
0x17: {  	s0 =	simm.s32 @!p0 $0xA  }
0x18: {  	_ =	swait.ge @!p0 [sflag:s0], $0x150  }
0x19: {  	s25 =	sld [smem:$0x7FC];
	_ =	sdelay $0x1  }
0x1a: {  	[sflag:s0] =	ssyncset.done @!p0 $0x0  }
0x1b: {  	[sflag:s0] =	ssyncadd.s32 @!p0 $0xFFFFFEB0;
	p0 =	seq.s32 s25, $0x1  }
0x1c: {  	s1 =	rddreg [dreg:$0x6];
	s0 =	simm.s32 @p0 $0x0  }
0x1d: {  	[tilespmem:s0], [sflag:$0xA] =	stream.linear.gather @p0 [hbm4b:s1+s0], $0x320, $0x38;
	[tilespmem:$0x11D28] =	vst v63  }
0x1e: {  	s0 =	simm.s32 @p0 $0xA  }
0x1f: {  	_ =	swait.ge @p0 [sflag:s0], $0x320  }
0x20: {  	[sflag:s0] =	ssyncset.done @p0 $0x0  }
0x21: {  	s1 =	rddreg [dreg:$0x5];
	[sflag:s0] =	ssyncadd.s32 @p0 $0xFFFFFCE0;
	s0 =	simm.s32 @!p0 $0x0  }
0x22: {  	[tilespmem:s0], [sflag:$0xA] =	stream.linear.gather @!p0 [hbm4b:s1+s0], $0xC80, $0x38;
	[tilespmem:$0x11D28] =	vst v63  }
0x23: {  	s0 =	simm.s32 @!p0 $0xA  }
0x24: {  	_ =	swait.ge @!p0 [sflag:s0], $0xC80  }
0x25: {  	[sflag:s0] =	ssyncset.done @!p0 $0x0  }
0x26: {  	s26 =	simm.s32 $0x0;
	[sflag:s0] =	ssyncadd.s32 @!p0 $0xFFFFF380;
	p0 =	por $0x1, $0x1  }
0x27: {  	s30 =	simm.s32 $0xC80;
	[bflag:$0x0] =	sbarrier.arrive $0xFFFF;
	p1 =	sle.u32 @!p0 s7, $0x0  }
0x28: {  	[tilespmem:s30], [sflag:$0x1] =	stream.indirect.gather [spmem:s2], $0x80, s26, s15, $0xb8;
	[tilespmem:$0x11D28] =	vst v63  }
0x29: {  	p3 =	por p1, p0  }
0x2a: {  	s31 =	simm.s32 $0x4C80;
	s0 =	simm.s32 @!p3 $0x7  }
0x2b: {  	[tilespmem:s31], [sflag:$0x2] =	stream.indirect.gather [spmem:s2], $0x80, s15, s15, $0xb8;
	[tilespmem:$0x11D28] =	vst v63  }
0x2c: {  	p4 =	sle.u32 s4, $0x0;
	p1 =	sle.u32 s4, $0x2;
	_ =	swait.ge @!p3 [sflag:s0], $0x4000  }
0x2d: {  	s1 =	simm.s32 @!p1 $0x100;
	s19 =	simm.s32 @!p1 $0x80;
	[sflag:s0] =	ssyncset.done @!p3 $0x0  }
0x2e: {  	s25 =	simm.s32 @!p1 $0x8C80;
	[sflag:s0] =	ssyncadd.s32 @!p3 $0xFFFFC000;
	s0 =	simm.s32 @!p4 $0x1  }
0x2f: {  	[tilespmem:s25], [sflag:$0x3] =	stream.indirect.gather @!p1 [spmem:s2], $0x80, s1, s19, $0xb8;
	[tilespmem:$0x11D28] =	vst v63  }
0x30: {  	s22 =	simm.s32 $0x8;
	p3 =	sle.u32 @!p0 s7, $0x1;
	_ =	swait.ge @!p4 [sflag:s0], $0x4000  }
0x31: {  	p5 =	por p3, p0;
	s1 =	simm.s32 @!p4 $0xC80;
	[sflag:s0] =	ssyncset.done @!p4 $0x0  }
0x32: {  	s19 =	simm.s32 @!p5 $0x8;
	[sflag:s0] =	ssyncadd.s32 @!p4 $0xFFFFC000;
	s0 =	simm.s32 @!p4 $0x0  }
0x33: {  	[hbm4b:s10+s0] =	stream.linear.scatter @!p4 [tilespmem:s1], [sflag:$0x5], $0x4000, $0x38;
	[tilespmem:$0x11D28] =	vst v63  }
0x34: {  	p3 =	sle.u32 s4, $0x3;
	p0 =	sle.u32 s4, $0x1;
	_ =	swait.ge @!p5 [sflag:s19], $0x4000  }
0x35: {  	s26 =	simm.s32 @!p3 $0xCC80;
	s0 =	simm.s32 $0x180;
	[sflag:s19] =	ssyncset.done @!p5 $0x0  }
0x36: {  	s1 =	simm.s32 @!p0 $0x2;
	[sflag:s19] =	ssyncadd.s32 @!p5 $0xFFFFC000;
	s19 =	simm.s32 @!p3 $0x80  }
0x37: {  	[tilespmem:s26], [sflag:$0x4] =	stream.indirect.gather @!p3 [spmem:s2], $0x80, s0, s19, $0xb8;
	[tilespmem:$0x11D28] =	vst v63  }
0x38: {  	s21 =	sadd.s32 $0x2000, s13;
	s24 =	sadd.s32 $0x2000, s12;
	_ =	swait.ge @!p0 [sflag:s1], $0x4000  }
0x39: {  	p6 =	por $0x0, $0x0;
	s23 =	simm.s32 @!p4 $0x5;
	[sflag:s1] =	ssyncset.done @!p0 $0x0  }
0x3a: {  	s20 =	simm.s32 @!p0 $0x0;
	s0 =	simm.s32 @!p0 $0x4C80;
	[sflag:s1] =	ssyncadd.s32 @!p0 $0xFFFFC000  }
0x3b: {  	[hbm4b:s12+s20] =	stream.linear.scatter @!p0 [tilespmem:s0], [sflag:$0x6], $0x4000, $0x38;
	[tilespmem:$0x11D28] =	vst v63  }
0x3c: {  	s29 =	smov.u32 s11;
	p0 =	sle.u32 s4, $0x4;
	_ =	swait.ge @!p4 [sflag:s23], $0x4000  }
0x3d: {  	s1 =	simm.s32 @!p1 $0x3;
	s0 =	simm.s32 @!p0 $0xC80;
	[sflag:s23] =	ssyncset.done @!p4 $0x0  }
0x3e: {  	s20 =	simm.s32 @!p0 $0x200;
	[sflag:s23] =	ssyncadd.s32 @!p4 $0xFFFFC000;
	s23 =	simm.s32 @!p0 $0x80  }
0x3f: {  	[tilespmem:s0], [sflag:$0x1] =	stream.indirect.gather @!p0 [spmem:s2], $0x80, s20, s23, $0xb8;
	[tilespmem:$0x11D28] =	vst v63  }
0x40: {  	s28 =	simm.s32 @!p3 $0x4;
	p5 =	sle.u32 @!p6 s7, $0x4;
	_ =	swait.ge @!p1 [sflag:s1], $0x4000  }
0x41: {  	s19 =	simm.s32 $0x4;
	p0 =	sle.u32 s7, $0x3;
	[sflag:s1] =	ssyncset.done @!p1 $0x0  }
0x42: {  	s0 =	simm.s32 @!p1 $0x0;
	[sflag:s1] =	ssyncadd.s32 @!p1 $0xFFFFC000;
	s1 =	simm.s32 @!p0 $0x6  }
0x43: {  	[hbm4b:s13+s0] =	stream.linear.scatter @!p1 [tilespmem:s25], [sflag:$0x7], $0x4000, $0x38;
	[tilespmem:$0x11D28] =	vst v63  }
0x44: {  	s20 =	sadd.s32 $0x2000, s11;
	s23 =	simm.s32 $0x380;
	_ =	swait.ge @!p0 [sflag:s1], $0x4000  }
0x45: {  	p1 =	sle.u32 s4, $0x5;
	s25 =	sadd.s32 $0x2000, s10;
	[sflag:s1] =	ssyncset.done @!p0 $0x0  }
0x46: {  	s0 =	simm.s32 @!p1 $0x280;
	[sflag:s1] =	ssyncadd.s32 @!p0 $0xFFFFC000;
	s1 =	simm.s32 @!p1 $0x4C80  }
.LBB2_2:
0x47: {  	p0 =	por p5, p6;
	s3 =	simm.s32 @!p1 $0x80;
	s31 =	smov.u32 s22  }
0x48: {  	s30 =	smov.u32 s19;
	s19 =	smov.u32 s22;
	s22 =	sadd.s32 $0x4, s22  }
0x49: {  	[tilespmem:s1], [sflag:$0x2] =	stream.indirect.gather @!p1 [spmem:s2], $0x80, s0, s3, $0xb8;
	[tilespmem:$0x11D28] =	vst v63  }
0x4a: {  	s0 =	simm.s32 @!p0 $0x7;
	s1 =	simm.s32 @!p3 $0x0;
	_ =	swait.ge @!p3 [sflag:s28], $0x4000  }
0x4b: {  	p4 =	sne.s32 s22, $0x1C;
	s3 =	sadd.s32 $0x2, s30;
	[sflag:s28] =	ssyncset.done @!p3 $0x0  }
0x4c: {  	p5 =	sge.u32 s3, s4;
	s3 =	sadd.s32 $0x1, s30;
	[sflag:s28] =	ssyncadd.s32 @!p3 $0xFFFFC000  }
0x4d: {  	[hbm4b:s29+s1] =	stream.linear.scatter @!p3 [tilespmem:s26], [sflag:$0x8], $0x4000, $0x38;
	[tilespmem:$0x11D28] =	vst v63  }
0x4e: {  	s28 =	simm.s32 @!p5 $0x80;
	s26 =	sadd.s32 @!p5 $0xFFFFFF80, s23;
	_ =	swait.ge @!p0 [sflag:s0], $0x4000  }
0x4f: {  	p1 =	sge.u32 s30, s4;
	s1 =	simm.s32 @!p5 $0x8C80;
	[sflag:s0] =	ssyncset.done @!p0 $0x0  }
0x50: {  	s16 =	simm.s32 @!p1 $0x1;
	[sflag:s0] =	ssyncadd.s32 @!p0 $0xFFFFC000;
	p0 =	sge.u32 @!p6 s3, s7  }
0x51: {  	[tilespmem:s1], [sflag:$0x3] =	stream.indirect.gather @!p5 [spmem:s2], $0x80, s26, s28, $0xb8;
	[tilespmem:$0x11D28] =	vst v63  }
0x52: {  	s0 =	smov.u32 s21;
	p6 =	por p0, p6;
	_ =	swait.ge @!p1 [sflag:s16], $0x4000  }
0x53: {  	s29 =	smov.u32 s20;
	s26 =	simm.s32 @!p1 $0xC80;
	[sflag:s16] =	ssyncset.done @!p1 $0x0  }
0x54: {  	s28 =	simm.s32 @!p6 $0x8;
	[sflag:s16] =	ssyncadd.s32 @!p1 $0xFFFFC000;
	s16 =	simm.s32 @!p1 $0x0  }
0x55: {  	[hbm4b:s25+s16] =	stream.linear.scatter @!p1 [tilespmem:s26], [sflag:$0x5], $0x4000, $0x38;
	[tilespmem:$0x11D28] =	vst v63  }
0x56: {  	s17 =	smov.u32 s23;
	s16 =	sadd.s32 $0x3, s30;
	_ =	swait.ge @!p6 [sflag:s28], $0x4000  }
0x57: {  	p0 =	sge.u32 s3, s4;
	p3 =	sge.u32 s16, s4;
	[sflag:s28] =	ssyncset.done @!p6 $0x0  }
0x58: {  	s3 =	simm.s32 @!p0 $0x2;
	s26 =	simm.s32 @!p3 $0xCC80;
	[sflag:s28] =	ssyncadd.s32 @!p6 $0xFFFFC000  }
0x59: {  	s5 =	simm.s32 @!p3 $0x80;
	s28 =	simm.s32 @!p3 $0x4  }
0x5a: {  	[tilespmem:s26], [sflag:$0x4] =	stream.indirect.gather @!p3 [spmem:s2], $0x80, s23, s5, $0xb8;
	[tilespmem:$0x11D28] =	vst v63  }
0x5b: {  	s5 =	simm.s32 @!p0 $0x4C80;
	_ =	swait.ge @!p0 [sflag:s3], $0x4000  }
0x5c: {  	s8 =	simm.s32 @!p1 $0x5;
	s6 =	simm.s32 @!p0 $0x0;
	[sflag:s3] =	ssyncset.done @!p0 $0x0  }
0x5d: {  	s20 =	sadd.s32 $0x2000, s20;
	s21 =	sadd.s32 $0x2000, s21;
	[sflag:s3] =	ssyncadd.s32 @!p0 $0xFFFFC000  }
0x5e: {  	[hbm4b:s24+s6] =	stream.linear.scatter @!p0 [tilespmem:s5], [sflag:$0x6], $0x4000, $0x38;
	[tilespmem:$0x11D28] =	vst v63  }
0x5f: {  	p0 =	sge.u32 s31, s4;
	s24 =	sadd.s32 $0x2000, s24;
	_ =	swait.ge @!p1 [sflag:s8], $0x4000  }
0x60: {  	s5 =	simm.s32 @!p5 $0x3;
	s3 =	simm.s32 @!p0 $0xC80;
	[sflag:s8] =	ssyncset.done @!p1 $0x0  }
0x61: {  	s6 =	sadd.s32 @!p0 $0x80, s23;
	[sflag:s8] =	ssyncadd.s32 @!p1 $0xFFFFC000;
	s8 =	simm.s32 @!p0 $0x80  }
0x62: {  	[tilespmem:s3], [sflag:$0x1] =	stream.indirect.gather @!p0 [spmem:s2], $0x80, s6, s8, $0xb8;
	[tilespmem:$0x11D28] =	vst v63  }
0x63: {  	s23 =	sadd.s32 $0x200, s23;
	s3 =	simm.s32 @!p5 $0x0;
	_ =	swait.ge @!p5 [sflag:s5], $0x4000  }
0x64: {  	p0 =	sge.u32 s16, s7;
	s6 =	sadd.s32 $0x5, s30;
	[sflag:s5] =	ssyncset.done @!p5 $0x0  }
.Ltmp0:
0x65: {  	[sflag:s5] =	ssyncadd.s32 @!p5 $0xFFFFC000;
	s5 =	simm.s32 @!p0 $0x6;
	(pc) =	sbr.rel @p4 .LBB2_2-.Ltmp0, $4  }
0x66: {  	[hbm4b:s0+s3] =	stream.linear.scatter @!p5 [tilespmem:s1], [sflag:$0x7], $0x4000, $0x38;
	[tilespmem:$0x11D28] =	vst v63  }
0x67: {  	s25 =	sadd.s32 $0x2000, s25;
	p1 =	sge.u32 s6, s4;
	_ =	swait.ge @!p0 [sflag:s5], $0x4000  }
0x68: {  	p6 =	seq.s32 s19, $0x0;
	s0 =	sadd.s32 @!p1 $0x100, s17;
	[sflag:s5] =	ssyncset.done @!p0 $0x0  }
0x69: {  	p5 =	sge.u32 @!p6 s19, s7;
	s1 =	simm.s32 @!p1 $0x4C80;
	[sflag:s5] =	ssyncadd.s32 @!p0 $0xFFFFC000  }
0x6a: {  	s3 =	simm.s32 @!p1 $0x80  }
0x6b: {  	[tilespmem:s1], [sflag:$0x2] =	stream.indirect.gather @!p1 [spmem:s2], $0x80, s0, s3, $0xb8;
	[tilespmem:$0x11D28] =	vst v63  }
0x6c: {  	p0 =	por p5, p6;
	_ =	swait.ge @!p3 [sflag:s28], $0x4000  }
0x6d: {  	s17 =	sadd.s32 $0x2, s19;
	p4 =	sge.u32 s19, s4;
	[sflag:s28] =	ssyncset.done @!p3 $0x0  }
0x6e: {  	s0 =	simm.s32 @!p0 $0x7;
	s3 =	simm.s32 @!p3 $0x0;
	[sflag:s28] =	ssyncadd.s32 @!p3 $0xFFFFC000  }
0x6f: {  	[hbm4b:s29+s3] =	stream.linear.scatter @!p3 [tilespmem:s26], [sflag:$0x8], $0x4000, $0x38;
	[tilespmem:$0x11D28] =	vst v63  }
0x70: {  	p1 =	sge.u32 s17, s4;
	s1 =	sadd.s32 $0x1, s19;
	_ =	swait.ge @!p0 [sflag:s0], $0x4000  }
0x71: {  	s5 =	simm.s32 @!p1 $0x80;
	s6 =	simm.s32 @!p1 $0x8C80;
	[sflag:s0] =	ssyncset.done @!p0 $0x0  }
0x72: {  	s3 =	sadd.s32 @!p1 $0xFFFFFF80, s23;
	[sflag:s0] =	ssyncadd.s32 @!p0 $0xFFFFC000;
	s0 =	simm.s32 @!p4 $0x1  }
0x73: {  	[tilespmem:s6], [sflag:$0x3] =	stream.indirect.gather @!p1 [spmem:s2], $0x80, s3, s5, $0xb8;
	[tilespmem:$0x11D28] =	vst v63  }
0x74: {  	s30 =	sadd.s32 $0x3, s19;
	p0 =	sge.u32 @!p6 s1, s7;
	_ =	swait.ge @!p4 [sflag:s0], $0x4000  }
0x75: {  	p0 =	por p0, p6;
	s3 =	simm.s32 @!p4 $0xC80;
	[sflag:s0] =	ssyncset.done @!p4 $0x0  }
0x76: {  	s5 =	simm.s32 @!p0 $0x8;
	[sflag:s0] =	ssyncadd.s32 @!p4 $0xFFFFC000;
	s0 =	simm.s32 @!p4 $0x0  }
0x77: {  	[hbm4b:s25+s0] =	stream.linear.scatter @!p4 [tilespmem:s3], [sflag:$0x5], $0x4000, $0x38;
	[tilespmem:$0x11D28] =	vst v63  }
0x78: {  	p3 =	sge.u32 s30, s4;
	_ =	swait.ge @!p0 [sflag:s5], $0x4000  }
0x79: {  	p5 =	sge.u32 s1, s4;
	s1 =	simm.s32 @!p3 $0xCC80;
	[sflag:s5] =	ssyncset.done @!p0 $0x0  }
0x7a: {  	s3 =	simm.s32 @!p5 $0x2;
	[sflag:s5] =	ssyncadd.s32 @!p0 $0xFFFFC000;
	s5 =	simm.s32 @!p3 $0x80  }
0x7b: {  	[tilespmem:s1], [sflag:$0x4] =	stream.indirect.gather @!p3 [spmem:s2], $0x80, s23, s5, $0xb8;
	[tilespmem:$0x11D28] =	vst v63  }
0x7c: {  	_ =	swait.ge @!p5 [sflag:s3], $0x4000  }
0x7d: {  	s16 =	simm.s32 @!p4 $0x5;
	[sflag:s3] =	ssyncset.done @!p5 $0x0  }
0x7e: {  	s8 =	simm.s32 @!p5 $0x0;
	s5 =	simm.s32 @!p5 $0x4C80;
	[sflag:s3] =	ssyncadd.s32 @!p5 $0xFFFFC000  }
0x7f: {  	[hbm4b:s24+s8] =	stream.linear.scatter @!p5 [tilespmem:s5], [sflag:$0x6], $0x4000, $0x38;
	[tilespmem:$0x11D28] =	vst v63  }
0x80: {  	p0 =	sge.u32 s22, s4;
	_ =	swait.ge @!p4 [sflag:s16], $0x4000  }
0x81: {  	s3 =	simm.s32 @!p0 $0xC80;
	s5 =	simm.s32 @!p1 $0x3;
	[sflag:s16] =	ssyncset.done @!p4 $0x0  }
0x82: {  	s8 =	sadd.s32 @!p0 $0x80, s23;
	[sflag:s16] =	ssyncadd.s32 @!p4 $0xFFFFC000;
	s16 =	simm.s32 @!p0 $0x80  }
0x83: {  	[tilespmem:s3], [sflag:$0x1] =	stream.indirect.gather @!p0 [spmem:s2], $0x80, s8, s16, $0xb8;
	[tilespmem:$0x11D28] =	vst v63  }
0x84: {  	_ =	swait.ge @!p1 [sflag:s5], $0x4000  }
0x85: {  	s31 =	sadd.s32 $0x5, s19;
	p0 =	sge.u32 s30, s7;
	[sflag:s5] =	ssyncset.done @!p1 $0x0  }
0x86: {  	s3 =	simm.s32 @!p1 $0x0;
	s0 =	simm.s32 @!p0 $0x6;
	[sflag:s5] =	ssyncadd.s32 @!p1 $0xFFFFC000  }
0x87: {  	[hbm4b:s21+s3] =	stream.linear.scatter @!p1 [tilespmem:s6], [sflag:$0x7], $0x4000, $0x38;
	[tilespmem:$0x11D28] =	vst v63  }
0x88: {  	p1 =	sge.u32 s31, s4;
	_ =	swait.ge @!p0 [sflag:s0], $0x4000  }
0x89: {  	s3 =	simm.s32 @!p3 $0x4;
	s5 =	sadd.s32 @!p1 $0x100, s23;
	[sflag:s0] =	ssyncset.done @!p0 $0x0  }
0x8a: {  	s6 =	simm.s32 @!p1 $0x80;
	[sflag:s0] =	ssyncadd.s32 @!p0 $0xFFFFC000;
	s0 =	simm.s32 @!p1 $0x4C80  }
0x8b: {  	[tilespmem:s0], [sflag:$0x2] =	stream.indirect.gather @!p1 [spmem:s2], $0x80, s5, s6, $0xb8;
	[tilespmem:$0x11D28] =	vst v63  }
0x8c: {  	_ =	swait.ge @!p3 [sflag:s3], $0x4000  }
0x8d: {  	[sflag:s3] =	ssyncset.done @!p3 $0x0  }
0x8e: {  	s0 =	simm.s32 @!p3 $0x0;
	[sflag:s3] =	ssyncadd.s32 @!p3 $0xFFFFC000  }
0x8f: {  	[hbm4b:s20+s0] =	stream.linear.scatter @!p3 [tilespmem:s1], [sflag:$0x8], $0x4000, $0x38;
	[tilespmem:$0x11D28] =	vst v63  }
0x90: {  	s3 =	simm.s32 @!p2 $0x10C80;
	s0 =	simm.s32 @!p2 $0x20;
	s1 =	simm.s32 @!p2 $0x300  }
0x91: {  	[tilespmem:s3], [sflag:$0x9] =	stream.indirect.gather @!p2 [spmem:s2], $0x80, s1, s0, $0xb8;
	[tilespmem:$0x11D28] =	vst v63  }
0x92: {  	s0 =	simm.s32 @!p2 $0x9  }
0x93: {  	s18 =	sadd.s32 $0x1, s18;
	_ =	swait.ge @!p2 [sflag:s0], $0x1000  }
0x94: {  	p0 =	sne.s32 s18, s9;
	[sflag:s0] =	ssyncset.done @!p2 $0x0  }
0x95: {  	s1 =	rddreg [dreg:$0x7];
	[sflag:s0] =	ssyncadd.s32 @!p2 $0xFFFFF000;
	s0 =	simm.s32 @!p2 $0x0  }
0x96: {  	[hbm4b:s1+s0] =	stream.linear.scatter @!p2 [tilespmem:s3], [sflag:$0xA], $0x1000, $0x38;
	[tilespmem:$0x11D28] =	vst v63  }
.Ltmp1:
0x97: {  	_ = 	snop;
	(pc) =	sbr.rel @p0 .LBB2_1-.Ltmp1, $4  }
0x98: {  	s0 =	simm.s32 @!p2 $0xA  }
0x99: {  	_ =	swait.ge @!p2 [sflag:s0], $0x1000  }
0x9a: {  	[sflag:s0] =	ssyncset.done @!p2 $0x0  }
0x9b: {  	[sflag:s0] =	ssyncadd.s32 @!p2 $0xFFFFF000  }
0x9c: {  	_ =	sfence.sel $0x180000  }
0x9d: {  	[bflag:$0x0] =	sbarrier.arrive $0xFFFF  }
0x9e: {  	_ =	strace $0x90000047  }
0x9f: {  	[bflag:$0x2] =	sbarrier.arrive $0xFFFF  }
0xa0: {  	s1 =	sld [smem:$0x7FD];
	_ =	sdelay $0x2  }
0xa1: {  	s0 =	rddreg [dreg:$0x4];
	p0 =	seq.s32 s1, $0x1  }
0xa2: {  	s0 =	sadd.s32 @!p0 $0x100000, s0  }
0xa3: {  	[sflag:s0] =	ssyncadd.tile.s32 @!p0 $0x1;
	_ =	shalt  }
.Lfunc_end2:
_tile_overlayer_lowered:
.L_overlay_start_2:
0xa4: {  	(tag) =	ssettag $0x2  }
0xa5: {  	s0 =	rddreg [dreg:$0x0];
	s2 =	stileid.u32  }
0xa6: {  	s1 =	rddreg [dreg:$0x1];
	p0 =	sne.s32 s2, $0x0  }
0xa7: {  	s3 =	rddreg [dreg:$0x2];
	[bflag:$0x3] =	sbarrier.arrive $0xFFFF;
	s2 =	simm.s32 @!p0 $0x1C0A  }
0xa8: {  	[timem:s3], [sflag:s2] =	dma.local @!p0 [hbm:s0], s1  }
0xa9: {  	s0 =	simm.s32 @!p0 $0xA  }
0xaa: {  	_ =	swait.ge @!p0 [sflag:s0], s1  }
0xab: {  	s1 =	ssub.s32 @!p0 $0x0, s1;
	[sflag:s0] =	ssyncset.done @!p0 $0x0  }
0xac: {  	[sflag:s0] =	ssyncadd.s32 @!p0 s1  }
0xad: {  	[bflag:$0x3] =	sbarrier.arrive $0xFFFF  }
0xae: {  	_ =	shalt  }

</sc_bundles>
